<compile_context>
chip_gen: v7x
topology: tpu7x:2x2x1
jax: 0.10.2.dev20260603
libtpu: 0.0.44.dev20260713+nightly
codegen_flags: <defaults>
</compile_context>

<pallas_src>
import functools

import jax
import jax.numpy as jnp
from jax import lax
from jax.experimental import pallas as pl
from jax.experimental.pallas import tpu as pltpu
from jax.experimental.pallas import tpu_sc as plsc

_B, _T, _F, _J = 16384, 200, 4, 15
_NW = 32
_BW = _B // _NW
_BC = 256
_TT = 8
_NTT = _T // _TT
_NCH = _NTT * (_BW // _BC)
_L = 16
_VPC = _TT * _BC // _L

_mesh = plsc.VectorSubcoreMesh(core_axis_name="c", subcore_axis_name="s")


@functools.partial(
    pl.kernel,
    mesh=_mesh,
    out_type=jax.ShapeDtypeStruct((_J, _T, _B), jnp.float32),
    compiler_params=pltpu.CompilerParams(
        needs_layout_passes=False, use_tc_tiling_on_sc=True),
    scratch_types=[
        pltpu.VMEM((_TT, _F, _BC), jnp.int32),
        pltpu.VMEM((_TT, _F, _BC), jnp.int32),
        pltpu.VMEM((_J, _TT, _BC), jnp.float32),
        pltpu.VMEM((_J, _TT, _BC), jnp.float32),
        pltpu.VMEM((33,), jnp.float32),
        pltpu.VMEM((72,), jnp.float32),
        pltpu.VMEM((72,), jnp.float32),
        pltpu.VMEM((35,), jnp.float32),
        pltpu.SemaphoreType.DMA,
        pltpu.SemaphoreType.DMA,
        pltpu.SemaphoreType.DMA,
        pltpu.SemaphoreType.DMA,
    ],
)
def _embed(x_hbm, w1_hbm, w2_hbm, w3_hbm, w4_hbm, out_hbm,
           xv0, xv1, ov0, ov1, w1v, w2v, w3v, w4v,
           si0, si1, so0, so1):
    cid = lax.axis_index("c")
    sid = lax.axis_index("s")
    wid = sid * 2 + cid
    pltpu.sync_copy(w1_hbm, w1v)
    pltpu.sync_copy(w2_hbm, w2v)
    pltpu.sync_copy(w3_hbm, w3v)
    pltpu.sync_copy(w4_hbm, w4v)
    b_w = wid * _BW
    nbs = _BW // _BC

    xvs = (xv0, xv1)
    ovs = (ov0, ov1)
    sis = (si0, si1)
    sos = (so0, so1)
    zeros = jnp.zeros((_L,), jnp.int32)

    def chunk_slices(gi):
        t0 = (gi // nbs) * _TT
        b0 = b_w + (gi % nbs) * _BC
        return t0, b0

    def start_in(gi, b):
        t0, b0 = chunk_slices(gi)
        pltpu.async_copy(
            x_hbm.at[pl.ds(t0, _TT), :, pl.ds(b0, _BC)], xvs[b], sis[b])

    def wait_in(b):
        pltpu.make_async_copy(
            x_hbm.at[pl.ds(0, _TT), :, pl.ds(0, _BC)], xvs[b], sis[b]).wait()

    def start_out(gi, b):
        t0, b0 = chunk_slices(gi)
        pltpu.async_copy(
            ovs[b], out_hbm.at[:, pl.ds(t0, _TT), pl.ds(b0, _BC)], sos[b])

    def wait_out(b):
        pltpu.make_async_copy(
            ovs[b], out_hbm.at[:, pl.ds(0, _TT), pl.ds(0, _BC)], sos[b]).wait()

    def compute(b):
        xv = xvs[b]
        ov = ovs[b]

        def t_body(t, carry):

            @plsc.parallel_loop(0, _BC, _L, unroll=2)
            def bv_body(boff):
                a = xv[t, 0, pl.ds(boff, _L)]
                bb = xv[t, 1, pl.ds(boff, _L)]
                cc = xv[t, 2, pl.ds(boff, _L)]
                dd = xv[t, 3, pl.ds(boff, _L)]
                a = jnp.minimum(jnp.maximum(a, 0), 10) * 3
                bb = jnp.minimum(jnp.maximum(bb, 0), 17) * 4
                cc = jnp.minimum(jnp.maximum(cc, 0), 23) * 3
                dd = jnp.minimum(jnp.maximum(dd, 0), 6) * 5
                vals = []
                for j in range(3):
                    vals.append(plsc.load_gather(w1v, [a + j]))
                for j in range(4):
                    vals.append(plsc.load_gather(w2v, [bb + j]))
                for j in range(3):
                    vals.append(plsc.load_gather(w3v, [cc + j]))
                for j in range(5):
                    vals.append(plsc.load_gather(w4v, [dd + j]))
                for j in range(15):
                    ov[j, t, pl.ds(boff, _L)] = vals[j]

            return carry

        lax.fori_loop(0, _TT, t_body, 0)

    start_in(0, 0)

    def pair_body(gp, carry):
        for b in (0, 1):
            gi = gp * 2 + b

            @pl.when(gi + 1 < _NCH)
            def _():
                start_in(gi + 1, 1 - b)

            wait_in(b)

            @pl.when(gi >= 2)
            def _():
                wait_out(b)

            compute(b)
            start_out(gi, b)
        return carry

    lax.fori_loop(0, _NCH // 2, pair_body, 0)
    wait_out(0)
    wait_out(1)


def kernel(x, W_wdir, W_weather, W_hour, W_weekday):
    xt = jnp.transpose(x.astype(jnp.int32), (1, 2, 0))
    out_t = _embed(xt, W_wdir.reshape(33), W_weather.reshape(72),
                   W_hour.reshape(72), W_weekday.reshape(35))
    return jnp.transpose(out_t, (2, 1, 0))

# --- scband reference (transcript-rebuilt; emitter-appended) ---
"""Pipeline reference for scband-air-embedding-11948599017531 (READ-ONLY COPY).

The authoritative reference and input builder live on the scoring server;
editing this copy changes nothing except your own understanding.
"""

import jax, jax.numpy as jnp
import numpy as np

def setup_inputs(seed: int = 0) -> dict:
    key = jax.random.key(seed)
    k1, k2, k3, k4, k5 = jax.random.split(key, 5)
    x = jax.random.randint(k1, (16384, 200, 4), 0, 24, dtype=jnp.int64) if jax.config.jax_enable_x64 else jax.random.randint(k1, (16384, 200, 4), 0, 24, dtype=jnp.int32)
    W_wdir = jax.random.normal(k2, (11, 3), dtype=jnp.float32)
    W_weather = jax.random.normal(k3, (18, 4), dtype=jnp.float32)
    W_hour = jax.random.normal(k4, (24, 3), dtype=jnp.float32)
    W_weekday = jax.random.normal(k5, (7, 5), dtype=jnp.float32)
    return {"x": x, "W_wdir": W_wdir, "W_weather": W_weather, "W_hour": W_hour, "W_weekday": W_weekday}

def reference(x, W_wdir, W_weather, W_hour, W_weekday):
    wdir = jnp.clip(x[..., 0], 0, 10)
    weather = jnp.clip(x[..., 1], 0, 17)
    hour = jnp.clip(x[..., 2], 0, 23)
    weekday = jnp.clip(x[..., 3], 0, 6)
    x_wdir = jnp.take(W_wdir, wdir, axis=0)
    x_weather = jnp.take(W_weather, weather, axis=0)
    x_hour = jnp.take(W_hour, hour, axis=0)
    x_weekday = jnp.take(W_weekday, weekday, axis=0)
    out = jnp.concatenate((x_wdir, x_weather, x_hour, x_weekday), axis=-1)
    return out

if __name__ == "__main__":
    import jax
    _d = setup_inputs()
    print(jax.jit(kernel)(*tuple(_d.values())))

</pallas_src>

<mosaic_0001>
#map = affine_map<(d0, d1) -> (0, 0, 0)>
#map1 = affine_map<(d0, d1) -> (0)>
module attributes {stable_mosaic.version = 14 : i64} {
  func.func @_embed(%arg0: i32, %arg1: i32, %arg2: memref<200x4x16384xi32, #tpu.memory_space<hbm>>, %arg3: memref<33xf32, #tpu.memory_space<hbm>>, %arg4: memref<72xf32, #tpu.memory_space<hbm>>, %arg5: memref<72xf32, #tpu.memory_space<hbm>>, %arg6: memref<35xf32, #tpu.memory_space<hbm>>, %arg7: memref<15x200x16384xf32, #tpu.memory_space<hbm>>, %arg8: memref<8x4x256xi32, #tpu.memory_space<vmem>>, %arg9: memref<8x4x256xi32, #tpu.memory_space<vmem>>, %arg10: memref<15x8x256xf32, #tpu.memory_space<vmem>>, %arg11: memref<15x8x256xf32, #tpu.memory_space<vmem>>, %arg12: memref<33xf32, #tpu.memory_space<vmem>>, %arg13: memref<72xf32, #tpu.memory_space<vmem>>, %arg14: memref<72xf32, #tpu.memory_space<vmem>>, %arg15: memref<35xf32, #tpu.memory_space<vmem>>, %arg16: memref<!tpu.dma_semaphore, #tpu.memory_space<semaphore_mem>>, %arg17: memref<!tpu.dma_semaphore, #tpu.memory_space<semaphore_mem>>, %arg18: memref<!tpu.dma_semaphore, #tpu.memory_space<semaphore_mem>>, %arg19: memref<!tpu.dma_semaphore, #tpu.memory_space<semaphore_mem>>) attributes {dimension_semantics = [#tpu.dimension_semantics<core_parallel>, #tpu.dimension_semantics<subcore_parallel>], iteration_bounds = array<i64: 2, 16>, scalar_prefetch = 0 : i64, scratch_operands = 12 : i64, tpu.core_type = #tpu.core_type<sc_vector_subcore>, window_params = [{transform_indices = #map}, {transform_indices = #map1}, {transform_indices = #map1}, {transform_indices = #map1}, {transform_indices = #map1}, {transform_indices = #map}]} {
    %mul3A = arith.constant 2 : i32
    %mul3A_0 = arith.muli %arg1, %mul3A : i32
    %add3A = arith.addi %mul3A_0, %arg0 : i32
    "tpu.region"() ({
      %run_scoped3A = tpu.sem_alloc : memref<!tpu.dma_semaphore, #tpu.memory_space<semaphore_mem>>
      tpu.enqueue_dma source(%arg3 : memref<33xf32, #tpu.memory_space<hbm>>) target(%arg12 : memref<33xf32, #tpu.memory_space<vmem>>) target_semaphore(%run_scoped3A : memref<!tpu.dma_semaphore, #tpu.memory_space<semaphore_mem>>)
      tpu.wait_dma2 semaphore(%run_scoped3A : memref<!tpu.dma_semaphore, #tpu.memory_space<semaphore_mem>>) src(%arg3 : memref<33xf32, #tpu.memory_space<hbm>>) dst(%arg12 : memref<33xf32, #tpu.memory_space<vmem>>)
      tpu.yield
    }) : () -> ()
    "tpu.region"() ({
      %run_scoped3A = tpu.sem_alloc : memref<!tpu.dma_semaphore, #tpu.memory_space<semaphore_mem>>
      tpu.enqueue_dma source(%arg4 : memref<72xf32, #tpu.memory_space<hbm>>) target(%arg13 : memref<72xf32, #tpu.memory_space<vmem>>) target_semaphore(%run_scoped3A : memref<!tpu.dma_semaphore, #tpu.memory_space<semaphore_mem>>)
      tpu.wait_dma2 semaphore(%run_scoped3A : memref<!tpu.dma_semaphore, #tpu.memory_space<semaphore_mem>>) src(%arg4 : memref<72xf32, #tpu.memory_space<hbm>>) dst(%arg13 : memref<72xf32, #tpu.memory_space<vmem>>)
      tpu.yield
    }) : () -> ()
    "tpu.region"() ({
      %run_scoped3A = tpu.sem_alloc : memref<!tpu.dma_semaphore, #tpu.memory_space<semaphore_mem>>
      tpu.enqueue_dma source(%arg5 : memref<72xf32, #tpu.memory_space<hbm>>) target(%arg14 : memref<72xf32, #tpu.memory_space<vmem>>) target_semaphore(%run_scoped3A : memref<!tpu.dma_semaphore, #tpu.memory_space<semaphore_mem>>)
      tpu.wait_dma2 semaphore(%run_scoped3A : memref<!tpu.dma_semaphore, #tpu.memory_space<semaphore_mem>>) src(%arg5 : memref<72xf32, #tpu.memory_space<hbm>>) dst(%arg14 : memref<72xf32, #tpu.memory_space<vmem>>)
      tpu.yield
    }) : () -> ()
    "tpu.region"() ({
      %run_scoped3A = tpu.sem_alloc : memref<!tpu.dma_semaphore, #tpu.memory_space<semaphore_mem>>
      tpu.enqueue_dma source(%arg6 : memref<35xf32, #tpu.memory_space<hbm>>) target(%arg15 : memref<35xf32, #tpu.memory_space<vmem>>) target_semaphore(%run_scoped3A : memref<!tpu.dma_semaphore, #tpu.memory_space<semaphore_mem>>)
      tpu.wait_dma2 semaphore(%run_scoped3A : memref<!tpu.dma_semaphore, #tpu.memory_space<semaphore_mem>>) src(%arg6 : memref<35xf32, #tpu.memory_space<hbm>>) dst(%arg15 : memref<35xf32, #tpu.memory_space<vmem>>)
      tpu.yield
    }) : () -> ()
    %mul3A_1 = arith.constant 512 : i32
    %mul3A_2 = arith.muli %add3A, %mul3A_1 : i32
    %broadcast_in_dim3A = arith.constant 0 : i32
    %broadcast_in_dim3A_3 = vector.broadcast %broadcast_in_dim3A : i32 to vector<16xi32>
    %add3A_4 = arith.constant 0 : i32
    %add3A_5 = arith.addi %mul3A_2, %add3A_4 : i32
    %dma_start3A = arith.constant 0 : i32
    %dma_start3A_6 = arith.constant 0 : i32
    %dma_start3A_7 = tpu.memref_slice %arg2[%dma_start3A, %dma_start3A_6, %add3A_5] : memref<200x4x16384xi32, #tpu.memory_space<hbm>> -> memref<8x4x256xi32, #tpu.memory_space<hbm>>
    %dma_start3A_8 = arith.constant 0 : i32
    %dma_start3A_9 = arith.constant 0 : i32
    %dma_start3A_10 = tpu.memref_slice %arg2[%dma_start3A_8, %dma_start3A_9, %add3A_5] : memref<200x4x16384xi32, #tpu.memory_space<hbm>> -> memref<8x4x256xi32, #tpu.memory_space<hbm>>
    tpu.enqueue_dma source(%dma_start3A_10 : memref<8x4x256xi32, #tpu.memory_space<hbm>>) target(%arg8 : memref<8x4x256xi32, #tpu.memory_space<vmem>>) target_semaphore(%arg16 : memref<!tpu.dma_semaphore, #tpu.memory_space<semaphore_mem>>)
    %scan3A = arith.constant 0 : i32
    %scan3A_11 = arith.constant 0 : i32
    %scan3A_12 = arith.constant 25 : i32
    %scan3A_13 = arith.addi %scan3A_11, %scan3A_12 : i32
    %scan3A_14 = arith.constant 1 : i32
    scf.for %scan3A_31 = %scan3A_11 to %scan3A_13 step %scan3A_14  : i32 {
      %mul3A_32 = arith.constant 2 : i32
      %mul3A_33 = arith.muli %scan3A_31, %mul3A_32 : i32
      %add3A_34 = arith.constant 0 : i32
      %add3A_35 = arith.addi %mul3A_33, %add3A_34 : i32
      %add3A_36 = arith.constant 1 : i32
      %add3A_37 = arith.addi %add3A_35, %add3A_36 : i32
      %lt3A = arith.constant 50 : i32
      %lt3A_38 = arith.cmpi slt, %add3A_37, %lt3A : i32
      %convert_element_type3A = arith.extui %lt3A_38 : i1 to i32
      %cond3A = arith.constant 0 : i32
      %cond3A_39 = arith.cmpi ne, %convert_element_type3A, %cond3A : i32
      scf.if %cond3A_39 {
        %add3A_177 = arith.constant 1 : i32
        %add3A_178 = arith.addi %add3A_35, %add3A_177 : i32
        %jit3A_179 = arith.constant 2 : i32
        %div3A_180 = arith.divsi %add3A_178, %jit3A_179 : i32
        %sign3A_181 = arith.constant 0 : i32
        %sign3A_182 = arith.cmpi sgt, %add3A_178, %sign3A_181 : i32
        %sign3A_183 = arith.extui %sign3A_182 : i1 to i32
        %sign3A_184 = arith.constant 0 : i32
        %sign3A_185 = arith.cmpi slt, %add3A_178, %sign3A_184 : i32
        %sign3A_186 = arith.extui %sign3A_185 : i1 to i32
        %sign3A_187 = arith.subi %sign3A_183, %sign3A_186 : i32
        %sign3A_188 = arith.constant 0 : i32
        %sign3A_189 = arith.cmpi sgt, %jit3A_179, %sign3A_188 : i32
        %sign3A_190 = arith.extui %sign3A_189 : i1 to i32
        %sign3A_191 = arith.constant 0 : i32
        %sign3A_192 = arith.cmpi slt, %jit3A_179, %sign3A_191 : i32
        %sign3A_193 = arith.extui %sign3A_192 : i1 to i32
        %sign3A_194 = arith.subi %sign3A_190, %sign3A_193 : i32
        %ne3A_195 = arith.cmpi ne, %sign3A_187, %sign3A_194 : i32
        %rem3A_196 = arith.remsi %add3A_178, %jit3A_179 : i32
        %ne3A_197 = arith.constant 0 : i32
        %ne3A_198 = arith.cmpi ne, %rem3A_196, %ne3A_197 : i32
        %and3A_199 = arith.andi %ne3A_195, %ne3A_198 : i1
        %sub3A_200 = arith.constant 1 : i32
        %sub3A_201 = arith.subi %div3A_180, %sub3A_200 : i32
        %select_n3A_202 = arith.select %and3A_199, %sub3A_201, %div3A_180 : i32
        %mul3A_203 = arith.constant 8 : i32
        %mul3A_204 = arith.muli %select_n3A_202, %mul3A_203 : i32
        %jit3A_205 = arith.constant 2 : i32
        %eq3A_206 = arith.constant 0 : i32
        %eq3A_207 = arith.cmpi eq, %jit3A_205, %eq3A_206 : i32
        %jit3A_208 = arith.constant 1 : i32
        %select_n3A_209 = arith.select %eq3A_207, %jit3A_208, %jit3A_205 : i32
        %rem3A_210 = arith.remsi %add3A_178, %select_n3A_209 : i32
        %ne3A_211 = arith.constant 0 : i32
        %ne3A_212 = arith.cmpi ne, %rem3A_210, %ne3A_211 : i32
        %lt3A_213 = arith.constant 0 : i32
        %lt3A_214 = arith.cmpi slt, %rem3A_210, %lt3A_213 : i32
        %lt3A_215 = arith.constant 0 : i32
        %lt3A_216 = arith.cmpi slt, %select_n3A_209, %lt3A_215 : i32
        %ne3A_217 = arith.xori %lt3A_214, %lt3A_216 : i1
        %and3A_218 = arith.andi %ne3A_217, %ne3A_212 : i1
        %add3A_219 = arith.addi %rem3A_210, %select_n3A_209 : i32
        %select_n3A_220 = arith.select %and3A_218, %add3A_219, %rem3A_210 : i32
        %mul3A_221 = arith.constant 256 : i32
        %mul3A_222 = arith.muli %select_n3A_220, %mul3A_221 : i32
        %add3A_223 = arith.addi %mul3A_2, %mul3A_222 : i32
        %dma_start3A_224 = arith.constant 0 : i32
        %dma_start3A_225 = tpu.memref_slice %arg2[%mul3A_204, %dma_start3A_224, %add3A_223] : memref<200x4x16384xi32, #tpu.memory_space<hbm>> -> memref<8x4x256xi32, #tpu.memory_space<hbm>>
        %dma_start3A_226 = arith.constant 0 : i32
        %dma_start3A_227 = tpu.memref_slice %arg2[%mul3A_204, %dma_start3A_226, %add3A_223] : memref<200x4x16384xi32, #tpu.memory_space<hbm>> -> memref<8x4x256xi32, #tpu.memory_space<hbm>>
        tpu.enqueue_dma source(%dma_start3A_227 : memref<8x4x256xi32, #tpu.memory_space<hbm>>) target(%arg9 : memref<8x4x256xi32, #tpu.memory_space<vmem>>) target_semaphore(%arg17 : memref<!tpu.dma_semaphore, #tpu.memory_space<semaphore_mem>>)
      } else {
      }
      %dma_wait3A_40 = arith.constant 0 : i32
      %dma_wait3A_41 = arith.constant 0 : i32
      %dma_wait3A_42 = arith.constant 0 : i32
      %dma_wait3A_43 = tpu.memref_slice %arg2[%dma_wait3A_40, %dma_wait3A_41, %dma_wait3A_42] : memref<200x4x16384xi32, #tpu.memory_space<hbm>> -> memref<8x4x256xi32, #tpu.memory_space<hbm>>
      %dma_wait3A_44 = arith.constant 0 : i32
      %dma_wait3A_45 = arith.constant 0 : i32
      %dma_wait3A_46 = arith.constant 0 : i32
      %dma_wait3A_47 = tpu.memref_slice %arg2[%dma_wait3A_44, %dma_wait3A_45, %dma_wait3A_46] : memref<200x4x16384xi32, #tpu.memory_space<hbm>> -> memref<8x4x256xi32, #tpu.memory_space<hbm>>
      tpu.wait_dma2 semaphore(%arg16 : memref<!tpu.dma_semaphore, #tpu.memory_space<semaphore_mem>>) src(%dma_wait3A_47 : memref<8x4x256xi32, #tpu.memory_space<hbm>>) dst(%arg8 : memref<8x4x256xi32, #tpu.memory_space<vmem>>)
      %ge3A = arith.constant 2 : i32
      %ge3A_48 = arith.cmpi sge, %add3A_35, %ge3A : i32
      %convert_element_type3A_49 = arith.extui %ge3A_48 : i1 to i32
      %cond3A_50 = arith.constant 0 : i32
      %cond3A_51 = arith.cmpi ne, %convert_element_type3A_49, %cond3A_50 : i32
      scf.if %cond3A_51 {
        %dma_wait3A_177 = arith.constant 0 : i32
        %dma_wait3A_178 = arith.constant 0 : i32
        %dma_wait3A_179 = arith.constant 0 : i32
        %dma_wait3A_180 = tpu.memref_slice %arg7[%dma_wait3A_177, %dma_wait3A_178, %dma_wait3A_179] : memref<15x200x16384xf32, #tpu.memory_space<hbm>> -> memref<15x8x256xf32, #tpu.memory_space<hbm>>
        %dma_wait3A_181 = arith.constant 0 : i32
        %dma_wait3A_182 = arith.constant 0 : i32
        %dma_wait3A_183 = arith.constant 0 : i32
        %dma_wait3A_184 = tpu.memref_slice %arg7[%dma_wait3A_181, %dma_wait3A_182, %dma_wait3A_183] : memref<15x200x16384xf32, #tpu.memory_space<hbm>> -> memref<15x8x256xf32, #tpu.memory_space<hbm>>
        tpu.wait_dma2 semaphore(%arg18 : memref<!tpu.dma_semaphore, #tpu.memory_space<semaphore_mem>>) src(%arg10 : memref<15x8x256xf32, #tpu.memory_space<vmem>>) dst(%dma_wait3A_184 : memref<15x8x256xf32, #tpu.memory_space<hbm>>)
      } else {
      }
      %scan3A_52 = arith.constant 0 : i32
      %scan3A_53 = arith.constant 0 : i32
      %scan3A_54 = arith.constant 8 : i32
      %scan3A_55 = arith.addi %scan3A_53, %scan3A_54 : i32
      %scan3A_56 = arith.constant 1 : i32
      scf.for %scan3A_177 = %scan3A_53 to %scan3A_55 step %scan3A_56  : i32 {
        %parallel_loop3A = arith.constant 0 : i32
        %parallel_loop3A_178 = arith.constant 256 : i32
        %parallel_loop3A_179 = arith.constant 16 : i32
        scf.for %parallel_loop3A_180 = %parallel_loop3A to %parallel_loop3A_178 step %parallel_loop3A_179  : i32 {
          %parallel_loop3A_181 = arith.constant 0 : i32
          %parallel_loop3A_182 = arith.index_cast %scan3A_177 : i32 to index
          %parallel_loop3A_183 = arith.index_cast %parallel_loop3A_181 : i32 to index
          %parallel_loop3A_184 = arith.index_cast %parallel_loop3A_180 : i32 to index
          %parallel_loop3A_185 = tpu.vector_load %arg8[%parallel_loop3A_182, %parallel_loop3A_183, %parallel_loop3A_184] {strides = array<i32>} : memref<8x4x256xi32, #tpu.memory_space<vmem>>, vector<16xi32>,
          %parallel_loop3A_186 = arith.constant 1 : i32
          %parallel_loop3A_187 = arith.index_cast %scan3A_177 : i32 to index
          %parallel_loop3A_188 = arith.index_cast %parallel_loop3A_186 : i32 to index
          %parallel_loop3A_189 = arith.index_cast %parallel_loop3A_180 : i32 to index
          %parallel_loop3A_190 = tpu.vector_load %arg8[%parallel_loop3A_187, %parallel_loop3A_188, %parallel_loop3A_189] {strides = array<i32>} : memref<8x4x256xi32, #tpu.memory_space<vmem>>, vector<16xi32>,
          %parallel_loop3A_191 = arith.constant 2 : i32
          %parallel_loop3A_192 = arith.index_cast %scan3A_177 : i32 to index
          %parallel_loop3A_193 = arith.index_cast %parallel_loop3A_191 : i32 to index
          %parallel_loop3A_194 = arith.index_cast %parallel_loop3A_180 : i32 to index
          %parallel_loop3A_195 = tpu.vector_load %arg8[%parallel_loop3A_192, %parallel_loop3A_193, %parallel_loop3A_194] {strides = array<i32>} : memref<8x4x256xi32, #tpu.memory_space<vmem>>, vector<16xi32>,
          %parallel_loop3A_196 = arith.constant 3 : i32
          %parallel_loop3A_197 = arith.index_cast %scan3A_177 : i32 to index
          %parallel_loop3A_198 = arith.index_cast %parallel_loop3A_196 : i32 to index
          %parallel_loop3A_199 = arith.index_cast %parallel_loop3A_180 : i32 to index
          %parallel_loop3A_200 = tpu.vector_load %arg8[%parallel_loop3A_197, %parallel_loop3A_198, %parallel_loop3A_199] {strides = array<i32>} : memref<8x4x256xi32, #tpu.memory_space<vmem>>, vector<16xi32>,
          %parallel_loop3A_201 = arith.constant 0 : i32
          %parallel_loop3A_202 = vector.broadcast %parallel_loop3A_201 : i32 to vector<16xi32>
          %parallel_loop3A_203 = arith.maxsi %parallel_loop3A_185, %parallel_loop3A_202 : vector<16xi32>
          %parallel_loop3A_204 = arith.constant 10 : i32
          %parallel_loop3A_205 = vector.broadcast %parallel_loop3A_204 : i32 to vector<16xi32>
          %parallel_loop3A_206 = arith.minsi %parallel_loop3A_203, %parallel_loop3A_205 : vector<16xi32>
          %parallel_loop3A_207 = arith.constant 3 : i32
          %parallel_loop3A_208 = vector.broadcast %parallel_loop3A_207 : i32 to vector<16xi32>
          %parallel_loop3A_209 = arith.muli %parallel_loop3A_206, %parallel_loop3A_208 : vector<16xi32>
          %parallel_loop3A_210 = arith.constant 0 : i32
          %parallel_loop3A_211 = vector.broadcast %parallel_loop3A_210 : i32 to vector<16xi32>
          %parallel_loop3A_212 = arith.maxsi %parallel_loop3A_190, %parallel_loop3A_211 : vector<16xi32>
          %parallel_loop3A_213 = arith.constant 17 : i32
          %parallel_loop3A_214 = vector.broadcast %parallel_loop3A_213 : i32 to vector<16xi32>
          %parallel_loop3A_215 = arith.minsi %parallel_loop3A_212, %parallel_loop3A_214 : vector<16xi32>
          %parallel_loop3A_216 = arith.constant 4 : i32
          %parallel_loop3A_217 = vector.broadcast %parallel_loop3A_216 : i32 to vector<16xi32>
          %parallel_loop3A_218 = arith.muli %parallel_loop3A_215, %parallel_loop3A_217 : vector<16xi32>
          %parallel_loop3A_219 = arith.constant 0 : i32
          %parallel_loop3A_220 = vector.broadcast %parallel_loop3A_219 : i32 to vector<16xi32>
          %parallel_loop3A_221 = arith.maxsi %parallel_loop3A_195, %parallel_loop3A_220 : vector<16xi32>
          %parallel_loop3A_222 = arith.constant 23 : i32
          %parallel_loop3A_223 = vector.broadcast %parallel_loop3A_222 : i32 to vector<16xi32>
          %parallel_loop3A_224 = arith.minsi %parallel_loop3A_221, %parallel_loop3A_223 : vector<16xi32>
          %parallel_loop3A_225 = arith.constant 3 : i32
          %parallel_loop3A_226 = vector.broadcast %parallel_loop3A_225 : i32 to vector<16xi32>
          %parallel_loop3A_227 = arith.muli %parallel_loop3A_224, %parallel_loop3A_226 : vector<16xi32>
          %parallel_loop3A_228 = arith.constant 0 : i32
          %parallel_loop3A_229 = vector.broadcast %parallel_loop3A_228 : i32 to vector<16xi32>
          %parallel_loop3A_230 = arith.maxsi %parallel_loop3A_200, %parallel_loop3A_229 : vector<16xi32>
          %parallel_loop3A_231 = arith.constant 6 : i32
          %parallel_loop3A_232 = vector.broadcast %parallel_loop3A_231 : i32 to vector<16xi32>
          %parallel_loop3A_233 = arith.minsi %parallel_loop3A_230, %parallel_loop3A_232 : vector<16xi32>
          %parallel_loop3A_234 = arith.constant 5 : i32
          %parallel_loop3A_235 = vector.broadcast %parallel_loop3A_234 : i32 to vector<16xi32>
          %parallel_loop3A_236 = arith.muli %parallel_loop3A_233, %parallel_loop3A_235 : vector<16xi32>
          %parallel_loop3A_237 = arith.constant 0 : i32
          %parallel_loop3A_238 = vector.broadcast %parallel_loop3A_237 : i32 to vector<16xi32>
          %parallel_loop3A_239 = arith.addi %parallel_loop3A_209, %parallel_loop3A_238 : vector<16xi32>
          %parallel_loop3A_240 = tpu.vector_load_idx %arg12[%parallel_loop3A_239] : memref<33xf32, #tpu.memory_space<vmem>>[vector<16xi32>], vector<16xf32>,
          %parallel_loop3A_241 = arith.constant 1 : i32
          %parallel_loop3A_242 = vector.broadcast %parallel_loop3A_241 : i32 to vector<16xi32>
          %parallel_loop3A_243 = arith.addi %parallel_loop3A_209, %parallel_loop3A_242 : vector<16xi32>
          %parallel_loop3A_244 = tpu.vector_load_idx %arg12[%parallel_loop3A_243] : memref<33xf32, #tpu.memory_space<vmem>>[vector<16xi32>], vector<16xf32>,
          %parallel_loop3A_245 = arith.constant 2 : i32
          %parallel_loop3A_246 = vector.broadcast %parallel_loop3A_245 : i32 to vector<16xi32>
          %parallel_loop3A_247 = arith.addi %parallel_loop3A_209, %parallel_loop3A_246 : vector<16xi32>
          %parallel_loop3A_248 = tpu.vector_load_idx %arg12[%parallel_loop3A_247] : memref<33xf32, #tpu.memory_space<vmem>>[vector<16xi32>], vector<16xf32>,
          %parallel_loop3A_249 = arith.constant 0 : i32
          %parallel_loop3A_250 = vector.broadcast %parallel_loop3A_249 : i32 to vector<16xi32>
          %parallel_loop3A_251 = arith.addi %parallel_loop3A_218, %parallel_loop3A_250 : vector<16xi32>
          %parallel_loop3A_252 = tpu.vector_load_idx %arg13[%parallel_loop3A_251] : memref<72xf32, #tpu.memory_space<vmem>>[vector<16xi32>], vector<16xf32>,
          %parallel_loop3A_253 = arith.constant 1 : i32
          %parallel_loop3A_254 = vector.broadcast %parallel_loop3A_253 : i32 to vector<16xi32>
          %parallel_loop3A_255 = arith.addi %parallel_loop3A_218, %parallel_loop3A_254 : vector<16xi32>
          %parallel_loop3A_256 = tpu.vector_load_idx %arg13[%parallel_loop3A_255] : memref<72xf32, #tpu.memory_space<vmem>>[vector<16xi32>], vector<16xf32>,
          %parallel_loop3A_257 = arith.constant 2 : i32
          %parallel_loop3A_258 = vector.broadcast %parallel_loop3A_257 : i32 to vector<16xi32>
          %parallel_loop3A_259 = arith.addi %parallel_loop3A_218, %parallel_loop3A_258 : vector<16xi32>
          %parallel_loop3A_260 = tpu.vector_load_idx %arg13[%parallel_loop3A_259] : memref<72xf32, #tpu.memory_space<vmem>>[vector<16xi32>], vector<16xf32>,
          %parallel_loop3A_261 = arith.constant 3 : i32
          %parallel_loop3A_262 = vector.broadcast %parallel_loop3A_261 : i32 to vector<16xi32>
          %parallel_loop3A_263 = arith.addi %parallel_loop3A_218, %parallel_loop3A_262 : vector<16xi32>
          %parallel_loop3A_264 = tpu.vector_load_idx %arg13[%parallel_loop3A_263] : memref<72xf32, #tpu.memory_space<vmem>>[vector<16xi32>], vector<16xf32>,
          %parallel_loop3A_265 = arith.constant 0 : i32
          %parallel_loop3A_266 = vector.broadcast %parallel_loop3A_265 : i32 to vector<16xi32>
          %parallel_loop3A_267 = arith.addi %parallel_loop3A_227, %parallel_loop3A_266 : vector<16xi32>
          %parallel_loop3A_268 = tpu.vector_load_idx %arg14[%parallel_loop3A_267] : memref<72xf32, #tpu.memory_space<vmem>>[vector<16xi32>], vector<16xf32>,
          %parallel_loop3A_269 = arith.constant 1 : i32
          %parallel_loop3A_270 = vector.broadcast %parallel_loop3A_269 : i32 to vector<16xi32>
          %parallel_loop3A_271 = arith.addi %parallel_loop3A_227, %parallel_loop3A_270 : vector<16xi32>
          %parallel_loop3A_272 = tpu.vector_load_idx %arg14[%parallel_loop3A_271] : memref<72xf32, #tpu.memory_space<vmem>>[vector<16xi32>], vector<16xf32>,
          %parallel_loop3A_273 = arith.constant 2 : i32
          %parallel_loop3A_274 = vector.broadcast %parallel_loop3A_273 : i32 to vector<16xi32>
          %parallel_loop3A_275 = arith.addi %parallel_loop3A_227, %parallel_loop3A_274 : vector<16xi32>
          %parallel_loop3A_276 = tpu.vector_load_idx %arg14[%parallel_loop3A_275] : memref<72xf32, #tpu.memory_space<vmem>>[vector<16xi32>], vector<16xf32>,
          %parallel_loop3A_277 = arith.constant 0 : i32
          %parallel_loop3A_278 = vector.broadcast %parallel_loop3A_277 : i32 to vector<16xi32>
          %parallel_loop3A_279 = arith.addi %parallel_loop3A_236, %parallel_loop3A_278 : vector<16xi32>
          %parallel_loop3A_280 = tpu.vector_load_idx %arg15[%parallel_loop3A_279] : memref<35xf32, #tpu.memory_space<vmem>>[vector<16xi32>], vector<16xf32>,
          %parallel_loop3A_281 = arith.constant 1 : i32
          %parallel_loop3A_282 = vector.broadcast %parallel_loop3A_281 : i32 to vector<16xi32>
          %parallel_loop3A_283 = arith.addi %parallel_loop3A_236, %parallel_loop3A_282 : vector<16xi32>
          %parallel_loop3A_284 = tpu.vector_load_idx %arg15[%parallel_loop3A_283] : memref<35xf32, #tpu.memory_space<vmem>>[vector<16xi32>], vector<16xf32>,
          %parallel_loop3A_285 = arith.constant 2 : i32
          %parallel_loop3A_286 = vector.broadcast %parallel_loop3A_285 : i32 to vector<16xi32>
          %parallel_loop3A_287 = arith.addi %parallel_loop3A_236, %parallel_loop3A_286 : vector<16xi32>
          %parallel_loop3A_288 = tpu.vector_load_idx %arg15[%parallel_loop3A_287] : memref<35xf32, #tpu.memory_space<vmem>>[vector<16xi32>], vector<16xf32>,
          %parallel_loop3A_289 = arith.constant 3 : i32
          %parallel_loop3A_290 = vector.broadcast %parallel_loop3A_289 : i32 to vector<16xi32>
          %parallel_loop3A_291 = arith.addi %parallel_loop3A_236, %parallel_loop3A_290 : vector<16xi32>
          %parallel_loop3A_292 = tpu.vector_load_idx %arg15[%parallel_loop3A_291] : memref<35xf32, #tpu.memory_space<vmem>>[vector<16xi32>], vector<16xf32>,
          %parallel_loop3A_293 = arith.constant 4 : i32
          %parallel_loop3A_294 = vector.broadcast %parallel_loop3A_293 : i32 to vector<16xi32>
          %parallel_loop3A_295 = arith.addi %parallel_loop3A_236, %parallel_loop3A_294 : vector<16xi32>
          %parallel_loop3A_296 = tpu.vector_load_idx %arg15[%parallel_loop3A_295] : memref<35xf32, #tpu.memory_space<vmem>>[vector<16xi32>], vector<16xf32>,
          %parallel_loop3A_297 = arith.constant 0 : i32
          %parallel_loop3A_298 = arith.index_cast %parallel_loop3A_297 : i32 to index
          %parallel_loop3A_299 = arith.index_cast %scan3A_177 : i32 to index
          %parallel_loop3A_300 = arith.index_cast %parallel_loop3A_180 : i32 to index
          %parallel_loop3A_301 = tpu.vector_load %arg10[%parallel_loop3A_298, %parallel_loop3A_299, %parallel_loop3A_300] {strides = array<i32>} : memref<15x8x256xf32, #tpu.memory_space<vmem>>, vector<16xf32>,
          tpu.vector_store %arg10[%parallel_loop3A_298, %parallel_loop3A_299, %parallel_loop3A_300], %parallel_loop3A_240 {strides = array<i32>} : memref<15x8x256xf32, #tpu.memory_space<vmem>>, vector<16xf32>,
          %parallel_loop3A_302 = arith.constant 1 : i32
          %parallel_loop3A_303 = arith.index_cast %parallel_loop3A_302 : i32 to index
          %parallel_loop3A_304 = arith.index_cast %scan3A_177 : i32 to index
          %parallel_loop3A_305 = arith.index_cast %parallel_loop3A_180 : i32 to index
          %parallel_loop3A_306 = tpu.vector_load %arg10[%parallel_loop3A_303, %parallel_loop3A_304, %parallel_loop3A_305] {strides = array<i32>} : memref<15x8x256xf32, #tpu.memory_space<vmem>>, vector<16xf32>,
          tpu.vector_store %arg10[%parallel_loop3A_303, %parallel_loop3A_304, %parallel_loop3A_305], %parallel_loop3A_244 {strides = array<i32>} : memref<15x8x256xf32, #tpu.memory_space<vmem>>, vector<16xf32>,
          %parallel_loop3A_307 = arith.constant 2 : i32
          %parallel_loop3A_308 = arith.index_cast %parallel_loop3A_307 : i32 to index
          %parallel_loop3A_309 = arith.index_cast %scan3A_177 : i32 to index
          %parallel_loop3A_310 = arith.index_cast %parallel_loop3A_180 : i32 to index
          %parallel_loop3A_311 = tpu.vector_load %arg10[%parallel_loop3A_308, %parallel_loop3A_309, %parallel_loop3A_310] {strides = array<i32>} : memref<15x8x256xf32, #tpu.memory_space<vmem>>, vector<16xf32>,
          tpu.vector_store %arg10[%parallel_loop3A_308, %parallel_loop3A_309, %parallel_loop3A_310], %parallel_loop3A_248 {strides = array<i32>} : memref<15x8x256xf32, #tpu.memory_space<vmem>>, vector<16xf32>,
          %parallel_loop3A_312 = arith.constant 3 : i32
          %parallel_loop3A_313 = arith.index_cast %parallel_loop3A_312 : i32 to index
          %parallel_loop3A_314 = arith.index_cast %scan3A_177 : i32 to index
          %parallel_loop3A_315 = arith.index_cast %parallel_loop3A_180 : i32 to index
          %parallel_loop3A_316 = tpu.vector_load %arg10[%parallel_loop3A_313, %parallel_loop3A_314, %parallel_loop3A_315] {strides = array<i32>} : memref<15x8x256xf32, #tpu.memory_space<vmem>>, vector<16xf32>,
          tpu.vector_store %arg10[%parallel_loop3A_313, %parallel_loop3A_314, %parallel_loop3A_315], %parallel_loop3A_252 {strides = array<i32>} : memref<15x8x256xf32, #tpu.memory_space<vmem>>, vector<16xf32>,
          %parallel_loop3A_317 = arith.constant 4 : i32
          %parallel_loop3A_318 = arith.index_cast %parallel_loop3A_317 : i32 to index
          %parallel_loop3A_319 = arith.index_cast %scan3A_177 : i32 to index
          %parallel_loop3A_320 = arith.index_cast %parallel_loop3A_180 : i32 to index
          %parallel_loop3A_321 = tpu.vector_load %arg10[%parallel_loop3A_318, %parallel_loop3A_319, %parallel_loop3A_320] {strides = array<i32>} : memref<15x8x256xf32, #tpu.memory_space<vmem>>, vector<16xf32>,
          tpu.vector_store %arg10[%parallel_loop3A_318, %parallel_loop3A_319, %parallel_loop3A_320], %parallel_loop3A_256 {strides = array<i32>} : memref<15x8x256xf32, #tpu.memory_space<vmem>>, vector<16xf32>,
          %parallel_loop3A_322 = arith.constant 5 : i32
          %parallel_loop3A_323 = arith.index_cast %parallel_loop3A_322 : i32 to index
          %parallel_loop3A_324 = arith.index_cast %scan3A_177 : i32 to index
          %parallel_loop3A_325 = arith.index_cast %parallel_loop3A_180 : i32 to index
          %parallel_loop3A_326 = tpu.vector_load %arg10[%parallel_loop3A_323, %parallel_loop3A_324, %parallel_loop3A_325] {strides = array<i32>} : memref<15x8x256xf32, #tpu.memory_space<vmem>>, vector<16xf32>,
          tpu.vector_store %arg10[%parallel_loop3A_323, %parallel_loop3A_324, %parallel_loop3A_325], %parallel_loop3A_260 {strides = array<i32>} : memref<15x8x256xf32, #tpu.memory_space<vmem>>, vector<16xf32>,
          %parallel_loop3A_327 = arith.constant 6 : i32
          %parallel_loop3A_328 = arith.index_cast %parallel_loop3A_327 : i32 to index
          %parallel_loop3A_329 = arith.index_cast %scan3A_177 : i32 to index
          %parallel_loop3A_330 = arith.index_cast %parallel_loop3A_180 : i32 to index
          %parallel_loop3A_331 = tpu.vector_load %arg10[%parallel_loop3A_328, %parallel_loop3A_329, %parallel_loop3A_330] {strides = array<i32>} : memref<15x8x256xf32, #tpu.memory_space<vmem>>, vector<16xf32>,
          tpu.vector_store %arg10[%parallel_loop3A_328, %parallel_loop3A_329, %parallel_loop3A_330], %parallel_loop3A_264 {strides = array<i32>} : memref<15x8x256xf32, #tpu.memory_space<vmem>>, vector<16xf32>,
          %parallel_loop3A_332 = arith.constant 7 : i32
          %parallel_loop3A_333 = arith.index_cast %parallel_loop3A_332 : i32 to index
          %parallel_loop3A_334 = arith.index_cast %scan3A_177 : i32 to index
          %parallel_loop3A_335 = arith.index_cast %parallel_loop3A_180 : i32 to index
          %parallel_loop3A_336 = tpu.vector_load %arg10[%parallel_loop3A_333, %parallel_loop3A_334, %parallel_loop3A_335] {strides = array<i32>} : memref<15x8x256xf32, #tpu.memory_space<vmem>>, vector<16xf32>,
          tpu.vector_store %arg10[%parallel_loop3A_333, %parallel_loop3A_334, %parallel_loop3A_335], %parallel_loop3A_268 {strides = array<i32>} : memref<15x8x256xf32, #tpu.memory_space<vmem>>, vector<16xf32>,
          %parallel_loop3A_337 = arith.constant 8 : i32
          %parallel_loop3A_338 = arith.index_cast %parallel_loop3A_337 : i32 to index
          %parallel_loop3A_339 = arith.index_cast %scan3A_177 : i32 to index
          %parallel_loop3A_340 = arith.index_cast %parallel_loop3A_180 : i32 to index
          %parallel_loop3A_341 = tpu.vector_load %arg10[%parallel_loop3A_338, %parallel_loop3A_339, %parallel_loop3A_340] {strides = array<i32>} : memref<15x8x256xf32, #tpu.memory_space<vmem>>, vector<16xf32>,
          tpu.vector_store %arg10[%parallel_loop3A_338, %parallel_loop3A_339, %parallel_loop3A_340], %parallel_loop3A_272 {strides = array<i32>} : memref<15x8x256xf32, #tpu.memory_space<vmem>>, vector<16xf32>,
          %parallel_loop3A_342 = arith.constant 9 : i32
          %parallel_loop3A_343 = arith.index_cast %parallel_loop3A_342 : i32 to index
          %parallel_loop3A_344 = arith.index_cast %scan3A_177 : i32 to index
          %parallel_loop3A_345 = arith.index_cast %parallel_loop3A_180 : i32 to index
          %parallel_loop3A_346 = tpu.vector_load %arg10[%parallel_loop3A_343, %parallel_loop3A_344, %parallel_loop3A_345] {strides = array<i32>} : memref<15x8x256xf32, #tpu.memory_space<vmem>>, vector<16xf32>,
          tpu.vector_store %arg10[%parallel_loop3A_343, %parallel_loop3A_344, %parallel_loop3A_345], %parallel_loop3A_276 {strides = array<i32>} : memref<15x8x256xf32, #tpu.memory_space<vmem>>, vector<16xf32>,
          %parallel_loop3A_347 = arith.constant 10 : i32
          %parallel_loop3A_348 = arith.index_cast %parallel_loop3A_347 : i32 to index
          %parallel_loop3A_349 = arith.index_cast %scan3A_177 : i32 to index
          %parallel_loop3A_350 = arith.index_cast %parallel_loop3A_180 : i32 to index
          %parallel_loop3A_351 = tpu.vector_load %arg10[%parallel_loop3A_348, %parallel_loop3A_349, %parallel_loop3A_350] {strides = array<i32>} : memref<15x8x256xf32, #tpu.memory_space<vmem>>, vector<16xf32>,
          tpu.vector_store %arg10[%parallel_loop3A_348, %parallel_loop3A_349, %parallel_loop3A_350], %parallel_loop3A_280 {strides = array<i32>} : memref<15x8x256xf32, #tpu.memory_space<vmem>>, vector<16xf32>,
          %parallel_loop3A_352 = arith.constant 11 : i32
          %parallel_loop3A_353 = arith.index_cast %parallel_loop3A_352 : i32 to index
          %parallel_loop3A_354 = arith.index_cast %scan3A_177 : i32 to index
          %parallel_loop3A_355 = arith.index_cast %parallel_loop3A_180 : i32 to index
          %parallel_loop3A_356 = tpu.vector_load %arg10[%parallel_loop3A_353, %parallel_loop3A_354, %parallel_loop3A_355] {strides = array<i32>} : memref<15x8x256xf32, #tpu.memory_space<vmem>>, vector<16xf32>,
          tpu.vector_store %arg10[%parallel_loop3A_353, %parallel_loop3A_354, %parallel_loop3A_355], %parallel_loop3A_284 {strides = array<i32>} : memref<15x8x256xf32, #tpu.memory_space<vmem>>, vector<16xf32>,
          %parallel_loop3A_357 = arith.constant 12 : i32
          %parallel_loop3A_358 = arith.index_cast %parallel_loop3A_357 : i32 to index
          %parallel_loop3A_359 = arith.index_cast %scan3A_177 : i32 to index
          %parallel_loop3A_360 = arith.index_cast %parallel_loop3A_180 : i32 to index
          %parallel_loop3A_361 = tpu.vector_load %arg10[%parallel_loop3A_358, %parallel_loop3A_359, %parallel_loop3A_360] {strides = array<i32>} : memref<15x8x256xf32, #tpu.memory_space<vmem>>, vector<16xf32>,
          tpu.vector_store %arg10[%parallel_loop3A_358, %parallel_loop3A_359, %parallel_loop3A_360], %parallel_loop3A_288 {strides = array<i32>} : memref<15x8x256xf32, #tpu.memory_space<vmem>>, vector<16xf32>,
          %parallel_loop3A_362 = arith.constant 13 : i32
          %parallel_loop3A_363 = arith.index_cast %parallel_loop3A_362 : i32 to index
          %parallel_loop3A_364 = arith.index_cast %scan3A_177 : i32 to index
          %parallel_loop3A_365 = arith.index_cast %parallel_loop3A_180 : i32 to index
          %parallel_loop3A_366 = tpu.vector_load %arg10[%parallel_loop3A_363, %parallel_loop3A_364, %parallel_loop3A_365] {strides = array<i32>} : memref<15x8x256xf32, #tpu.memory_space<vmem>>, vector<16xf32>,
          tpu.vector_store %arg10[%parallel_loop3A_363, %parallel_loop3A_364, %parallel_loop3A_365], %parallel_loop3A_292 {strides = array<i32>} : memref<15x8x256xf32, #tpu.memory_space<vmem>>, vector<16xf32>,
          %parallel_loop3A_367 = arith.constant 14 : i32
          %parallel_loop3A_368 = arith.index_cast %parallel_loop3A_367 : i32 to index
          %parallel_loop3A_369 = arith.index_cast %scan3A_177 : i32 to index
          %parallel_loop3A_370 = arith.index_cast %parallel_loop3A_180 : i32 to index
          %parallel_loop3A_371 = tpu.vector_load %arg10[%parallel_loop3A_368, %parallel_loop3A_369, %parallel_loop3A_370] {strides = array<i32>} : memref<15x8x256xf32, #tpu.memory_space<vmem>>, vector<16xf32>,
          tpu.vector_store %arg10[%parallel_loop3A_368, %parallel_loop3A_369, %parallel_loop3A_370], %parallel_loop3A_296 {strides = array<i32>} : memref<15x8x256xf32, #tpu.memory_space<vmem>>, vector<16xf32>,
        } {sc.loop_unroll_factor = 2 : i64, sc.parallel_access}
      }
      %scan3A_57 = arith.constant 8 : i32
      %jit3A = arith.constant 2 : i32
      %div3A = arith.divsi %add3A_35, %jit3A : i32
      %sign3A = arith.constant 0 : i32
      %sign3A_58 = arith.cmpi sgt, %add3A_35, %sign3A : i32
      %sign3A_59 = arith.extui %sign3A_58 : i1 to i32
      %sign3A_60 = arith.constant 0 : i32
      %sign3A_61 = arith.cmpi slt, %add3A_35, %sign3A_60 : i32
      %sign3A_62 = arith.extui %sign3A_61 : i1 to i32
      %sign3A_63 = arith.subi %sign3A_59, %sign3A_62 : i32
      %sign3A_64 = arith.constant 0 : i32
      %sign3A_65 = arith.cmpi sgt, %jit3A, %sign3A_64 : i32
      %sign3A_66 = arith.extui %sign3A_65 : i1 to i32
      %sign3A_67 = arith.constant 0 : i32
      %sign3A_68 = arith.cmpi slt, %jit3A, %sign3A_67 : i32
      %sign3A_69 = arith.extui %sign3A_68 : i1 to i32
      %sign3A_70 = arith.subi %sign3A_66, %sign3A_69 : i32
      %ne3A = arith.cmpi ne, %sign3A_63, %sign3A_70 : i32
      %rem3A = arith.remsi %add3A_35, %jit3A : i32
      %ne3A_71 = arith.constant 0 : i32
      %ne3A_72 = arith.cmpi ne, %rem3A, %ne3A_71 : i32
      %and3A = arith.andi %ne3A, %ne3A_72 : i1
      %sub3A = arith.constant 1 : i32
      %sub3A_73 = arith.subi %div3A, %sub3A : i32
      %select_n3A = arith.select %and3A, %sub3A_73, %div3A : i32
      %mul3A_74 = arith.constant 8 : i32
      %mul3A_75 = arith.muli %select_n3A, %mul3A_74 : i32
      %jit3A_76 = arith.constant 2 : i32
      %eq3A = arith.constant 0 : i32
      %eq3A_77 = arith.cmpi eq, %jit3A_76, %eq3A : i32
      %jit3A_78 = arith.constant 1 : i32
      %select_n3A_79 = arith.select %eq3A_77, %jit3A_78, %jit3A_76 : i32
      %rem3A_80 = arith.remsi %add3A_35, %select_n3A_79 : i32
      %ne3A_81 = arith.constant 0 : i32
      %ne3A_82 = arith.cmpi ne, %rem3A_80, %ne3A_81 : i32
      %lt3A_83 = arith.constant 0 : i32
      %lt3A_84 = arith.cmpi slt, %rem3A_80, %lt3A_83 : i32
      %lt3A_85 = arith.constant 0 : i32
      %lt3A_86 = arith.cmpi slt, %select_n3A_79, %lt3A_85 : i32
      %ne3A_87 = arith.xori %lt3A_84, %lt3A_86 : i1
      %and3A_88 = arith.andi %ne3A_87, %ne3A_82 : i1
      %add3A_89 = arith.addi %rem3A_80, %select_n3A_79 : i32
      %select_n3A_90 = arith.select %and3A_88, %add3A_89, %rem3A_80 : i32
      %mul3A_91 = arith.constant 256 : i32
      %mul3A_92 = arith.muli %select_n3A_90, %mul3A_91 : i32
      %add3A_93 = arith.addi %mul3A_2, %mul3A_92 : i32
      %dma_start3A_94 = arith.constant 0 : i32
      %dma_start3A_95 = tpu.memref_slice %arg7[%dma_start3A_94, %mul3A_75, %add3A_93] : memref<15x200x16384xf32, #tpu.memory_space<hbm>> -> memref<15x8x256xf32, #tpu.memory_space<hbm>>
      %dma_start3A_96 = arith.constant 0 : i32
      %dma_start3A_97 = tpu.memref_slice %arg7[%dma_start3A_96, %mul3A_75, %add3A_93] : memref<15x200x16384xf32, #tpu.memory_space<hbm>> -> memref<15x8x256xf32, #tpu.memory_space<hbm>>
      tpu.enqueue_dma source(%arg10 : memref<15x8x256xf32, #tpu.memory_space<vmem>>) target(%dma_start3A_97 : memref<15x8x256xf32, #tpu.memory_space<hbm>>) target_semaphore(%arg18 : memref<!tpu.dma_semaphore, #tpu.memory_space<semaphore_mem>>)
      %mul3A_98 = arith.constant 2 : i32
      %mul3A_99 = arith.muli %scan3A_31, %mul3A_98 : i32
      %add3A_100 = arith.constant 1 : i32
      %add3A_101 = arith.addi %mul3A_99, %add3A_100 : i32
      %add3A_102 = arith.constant 1 : i32
      %add3A_103 = arith.addi %add3A_101, %add3A_102 : i32
      %lt3A_104 = arith.constant 50 : i32
      %lt3A_105 = arith.cmpi slt, %add3A_103, %lt3A_104 : i32
      %convert_element_type3A_106 = arith.extui %lt3A_105 : i1 to i32
      %cond3A_107 = arith.constant 0 : i32
      %cond3A_108 = arith.cmpi ne, %convert_element_type3A_106, %cond3A_107 : i32
      scf.if %cond3A_108 {
        %add3A_177 = arith.constant 1 : i32
        %add3A_178 = arith.addi %add3A_101, %add3A_177 : i32
        %jit3A_179 = arith.constant 2 : i32
        %div3A_180 = arith.divsi %add3A_178, %jit3A_179 : i32
        %sign3A_181 = arith.constant 0 : i32
        %sign3A_182 = arith.cmpi sgt, %add3A_178, %sign3A_181 : i32
        %sign3A_183 = arith.extui %sign3A_182 : i1 to i32
        %sign3A_184 = arith.constant 0 : i32
        %sign3A_185 = arith.cmpi slt, %add3A_178, %sign3A_184 : i32
        %sign3A_186 = arith.extui %sign3A_185 : i1 to i32
        %sign3A_187 = arith.subi %sign3A_183, %sign3A_186 : i32
        %sign3A_188 = arith.constant 0 : i32
        %sign3A_189 = arith.cmpi sgt, %jit3A_179, %sign3A_188 : i32
        %sign3A_190 = arith.extui %sign3A_189 : i1 to i32
        %sign3A_191 = arith.constant 0 : i32
        %sign3A_192 = arith.cmpi slt, %jit3A_179, %sign3A_191 : i32
        %sign3A_193 = arith.extui %sign3A_192 : i1 to i32
        %sign3A_194 = arith.subi %sign3A_190, %sign3A_193 : i32
        %ne3A_195 = arith.cmpi ne, %sign3A_187, %sign3A_194 : i32
        %rem3A_196 = arith.remsi %add3A_178, %jit3A_179 : i32
        %ne3A_197 = arith.constant 0 : i32
        %ne3A_198 = arith.cmpi ne, %rem3A_196, %ne3A_197 : i32
        %and3A_199 = arith.andi %ne3A_195, %ne3A_198 : i1
        %sub3A_200 = arith.constant 1 : i32
        %sub3A_201 = arith.subi %div3A_180, %sub3A_200 : i32
        %select_n3A_202 = arith.select %and3A_199, %sub3A_201, %div3A_180 : i32
        %mul3A_203 = arith.constant 8 : i32
        %mul3A_204 = arith.muli %select_n3A_202, %mul3A_203 : i32
        %jit3A_205 = arith.constant 2 : i32
        %eq3A_206 = arith.constant 0 : i32
        %eq3A_207 = arith.cmpi eq, %jit3A_205, %eq3A_206 : i32
        %jit3A_208 = arith.constant 1 : i32
        %select_n3A_209 = arith.select %eq3A_207, %jit3A_208, %jit3A_205 : i32
        %rem3A_210 = arith.remsi %add3A_178, %select_n3A_209 : i32
        %ne3A_211 = arith.constant 0 : i32
        %ne3A_212 = arith.cmpi ne, %rem3A_210, %ne3A_211 : i32
        %lt3A_213 = arith.constant 0 : i32
        %lt3A_214 = arith.cmpi slt, %rem3A_210, %lt3A_213 : i32
        %lt3A_215 = arith.constant 0 : i32
        %lt3A_216 = arith.cmpi slt, %select_n3A_209, %lt3A_215 : i32
        %ne3A_217 = arith.xori %lt3A_214, %lt3A_216 : i1
        %and3A_218 = arith.andi %ne3A_217, %ne3A_212 : i1
        %add3A_219 = arith.addi %rem3A_210, %select_n3A_209 : i32
        %select_n3A_220 = arith.select %and3A_218, %add3A_219, %rem3A_210 : i32
        %mul3A_221 = arith.constant 256 : i32
        %mul3A_222 = arith.muli %select_n3A_220, %mul3A_221 : i32
        %add3A_223 = arith.addi %mul3A_2, %mul3A_222 : i32
        %dma_start3A_224 = arith.constant 0 : i32
        %dma_start3A_225 = tpu.memref_slice %arg2[%mul3A_204, %dma_start3A_224, %add3A_223] : memref<200x4x16384xi32, #tpu.memory_space<hbm>> -> memref<8x4x256xi32, #tpu.memory_space<hbm>>
        %dma_start3A_226 = arith.constant 0 : i32
        %dma_start3A_227 = tpu.memref_slice %arg2[%mul3A_204, %dma_start3A_226, %add3A_223] : memref<200x4x16384xi32, #tpu.memory_space<hbm>> -> memref<8x4x256xi32, #tpu.memory_space<hbm>>
        tpu.enqueue_dma source(%dma_start3A_227 : memref<8x4x256xi32, #tpu.memory_space<hbm>>) target(%arg8 : memref<8x4x256xi32, #tpu.memory_space<vmem>>) target_semaphore(%arg16 : memref<!tpu.dma_semaphore, #tpu.memory_space<semaphore_mem>>)
      } else {
      }
      %dma_wait3A_109 = arith.constant 0 : i32
      %dma_wait3A_110 = arith.constant 0 : i32
      %dma_wait3A_111 = arith.constant 0 : i32
      %dma_wait3A_112 = tpu.memref_slice %arg2[%dma_wait3A_109, %dma_wait3A_110, %dma_wait3A_111] : memref<200x4x16384xi32, #tpu.memory_space<hbm>> -> memref<8x4x256xi32, #tpu.memory_space<hbm>>
      %dma_wait3A_113 = arith.constant 0 : i32
      %dma_wait3A_114 = arith.constant 0 : i32
      %dma_wait3A_115 = arith.constant 0 : i32
      %dma_wait3A_116 = tpu.memref_slice %arg2[%dma_wait3A_113, %dma_wait3A_114, %dma_wait3A_115] : memref<200x4x16384xi32, #tpu.memory_space<hbm>> -> memref<8x4x256xi32, #tpu.memory_space<hbm>>
      tpu.wait_dma2 semaphore(%arg17 : memref<!tpu.dma_semaphore, #tpu.memory_space<semaphore_mem>>) src(%dma_wait3A_116 : memref<8x4x256xi32, #tpu.memory_space<hbm>>) dst(%arg9 : memref<8x4x256xi32, #tpu.memory_space<vmem>>)
      %ge3A_117 = arith.constant 2 : i32
      %ge3A_118 = arith.cmpi sge, %add3A_101, %ge3A_117 : i32
      %convert_element_type3A_119 = arith.extui %ge3A_118 : i1 to i32
      %cond3A_120 = arith.constant 0 : i32
      %cond3A_121 = arith.cmpi ne, %convert_element_type3A_119, %cond3A_120 : i32
      scf.if %cond3A_121 {
        %dma_wait3A_177 = arith.constant 0 : i32
        %dma_wait3A_178 = arith.constant 0 : i32
        %dma_wait3A_179 = arith.constant 0 : i32
        %dma_wait3A_180 = tpu.memref_slice %arg7[%dma_wait3A_177, %dma_wait3A_178, %dma_wait3A_179] : memref<15x200x16384xf32, #tpu.memory_space<hbm>> -> memref<15x8x256xf32, #tpu.memory_space<hbm>>
        %dma_wait3A_181 = arith.constant 0 : i32
        %dma_wait3A_182 = arith.constant 0 : i32
        %dma_wait3A_183 = arith.constant 0 : i32
        %dma_wait3A_184 = tpu.memref_slice %arg7[%dma_wait3A_181, %dma_wait3A_182, %dma_wait3A_183] : memref<15x200x16384xf32, #tpu.memory_space<hbm>> -> memref<15x8x256xf32, #tpu.memory_space<hbm>>
        tpu.wait_dma2 semaphore(%arg19 : memref<!tpu.dma_semaphore, #tpu.memory_space<semaphore_mem>>) src(%arg11 : memref<15x8x256xf32, #tpu.memory_space<vmem>>) dst(%dma_wait3A_184 : memref<15x8x256xf32, #tpu.memory_space<hbm>>)
      } else {
      }
      %scan3A_122 = arith.constant 0 : i32
      %scan3A_123 = arith.constant 0 : i32
      %scan3A_124 = arith.constant 8 : i32
      %scan3A_125 = arith.addi %scan3A_123, %scan3A_124 : i32
      %scan3A_126 = arith.constant 1 : i32
      scf.for %scan3A_177 = %scan3A_123 to %scan3A_125 step %scan3A_126  : i32 {
        %parallel_loop3A = arith.constant 0 : i32
        %parallel_loop3A_178 = arith.constant 256 : i32
        %parallel_loop3A_179 = arith.constant 16 : i32
        scf.for %parallel_loop3A_180 = %parallel_loop3A to %parallel_loop3A_178 step %parallel_loop3A_179  : i32 {
          %parallel_loop3A_181 = arith.constant 0 : i32
          %parallel_loop3A_182 = arith.index_cast %scan3A_177 : i32 to index
          %parallel_loop3A_183 = arith.index_cast %parallel_loop3A_181 : i32 to index
          %parallel_loop3A_184 = arith.index_cast %parallel_loop3A_180 : i32 to index
          %parallel_loop3A_185 = tpu.vector_load %arg9[%parallel_loop3A_182, %parallel_loop3A_183, %parallel_loop3A_184] {strides = array<i32>} : memref<8x4x256xi32, #tpu.memory_space<vmem>>, vector<16xi32>,
          %parallel_loop3A_186 = arith.constant 1 : i32
          %parallel_loop3A_187 = arith.index_cast %scan3A_177 : i32 to index
          %parallel_loop3A_188 = arith.index_cast %parallel_loop3A_186 : i32 to index
          %parallel_loop3A_189 = arith.index_cast %parallel_loop3A_180 : i32 to index
          %parallel_loop3A_190 = tpu.vector_load %arg9[%parallel_loop3A_187, %parallel_loop3A_188, %parallel_loop3A_189] {strides = array<i32>} : memref<8x4x256xi32, #tpu.memory_space<vmem>>, vector<16xi32>,
          %parallel_loop3A_191 = arith.constant 2 : i32
          %parallel_loop3A_192 = arith.index_cast %scan3A_177 : i32 to index
          %parallel_loop3A_193 = arith.index_cast %parallel_loop3A_191 : i32 to index
          %parallel_loop3A_194 = arith.index_cast %parallel_loop3A_180 : i32 to index
          %parallel_loop3A_195 = tpu.vector_load %arg9[%parallel_loop3A_192, %parallel_loop3A_193, %parallel_loop3A_194] {strides = array<i32>} : memref<8x4x256xi32, #tpu.memory_space<vmem>>, vector<16xi32>,
          %parallel_loop3A_196 = arith.constant 3 : i32
          %parallel_loop3A_197 = arith.index_cast %scan3A_177 : i32 to index
          %parallel_loop3A_198 = arith.index_cast %parallel_loop3A_196 : i32 to index
          %parallel_loop3A_199 = arith.index_cast %parallel_loop3A_180 : i32 to index
          %parallel_loop3A_200 = tpu.vector_load %arg9[%parallel_loop3A_197, %parallel_loop3A_198, %parallel_loop3A_199] {strides = array<i32>} : memref<8x4x256xi32, #tpu.memory_space<vmem>>, vector<16xi32>,
          %parallel_loop3A_201 = arith.constant 0 : i32
          %parallel_loop3A_202 = vector.broadcast %parallel_loop3A_201 : i32 to vector<16xi32>
          %parallel_loop3A_203 = arith.maxsi %parallel_loop3A_185, %parallel_loop3A_202 : vector<16xi32>
          %parallel_loop3A_204 = arith.constant 10 : i32
          %parallel_loop3A_205 = vector.broadcast %parallel_loop3A_204 : i32 to vector<16xi32>
          %parallel_loop3A_206 = arith.minsi %parallel_loop3A_203, %parallel_loop3A_205 : vector<16xi32>
          %parallel_loop3A_207 = arith.constant 3 : i32
          %parallel_loop3A_208 = vector.broadcast %parallel_loop3A_207 : i32 to vector<16xi32>
          %parallel_loop3A_209 = arith.muli %parallel_loop3A_206, %parallel_loop3A_208 : vector<16xi32>
          %parallel_loop3A_210 = arith.constant 0 : i32
          %parallel_loop3A_211 = vector.broadcast %parallel_loop3A_210 : i32 to vector<16xi32>
          %parallel_loop3A_212 = arith.maxsi %parallel_loop3A_190, %parallel_loop3A_211 : vector<16xi32>
          %parallel_loop3A_213 = arith.constant 17 : i32
          %parallel_loop3A_214 = vector.broadcast %parallel_loop3A_213 : i32 to vector<16xi32>
          %parallel_loop3A_215 = arith.minsi %parallel_loop3A_212, %parallel_loop3A_214 : vector<16xi32>
          %parallel_loop3A_216 = arith.constant 4 : i32
          %parallel_loop3A_217 = vector.broadcast %parallel_loop3A_216 : i32 to vector<16xi32>
          %parallel_loop3A_218 = arith.muli %parallel_loop3A_215, %parallel_loop3A_217 : vector<16xi32>
          %parallel_loop3A_219 = arith.constant 0 : i32
          %parallel_loop3A_220 = vector.broadcast %parallel_loop3A_219 : i32 to vector<16xi32>
          %parallel_loop3A_221 = arith.maxsi %parallel_loop3A_195, %parallel_loop3A_220 : vector<16xi32>
          %parallel_loop3A_222 = arith.constant 23 : i32
          %parallel_loop3A_223 = vector.broadcast %parallel_loop3A_222 : i32 to vector<16xi32>
          %parallel_loop3A_224 = arith.minsi %parallel_loop3A_221, %parallel_loop3A_223 : vector<16xi32>
          %parallel_loop3A_225 = arith.constant 3 : i32
          %parallel_loop3A_226 = vector.broadcast %parallel_loop3A_225 : i32 to vector<16xi32>
          %parallel_loop3A_227 = arith.muli %parallel_loop3A_224, %parallel_loop3A_226 : vector<16xi32>
          %parallel_loop3A_228 = arith.constant 0 : i32
          %parallel_loop3A_229 = vector.broadcast %parallel_loop3A_228 : i32 to vector<16xi32>
          %parallel_loop3A_230 = arith.maxsi %parallel_loop3A_200, %parallel_loop3A_229 : vector<16xi32>
          %parallel_loop3A_231 = arith.constant 6 : i32
          %parallel_loop3A_232 = vector.broadcast %parallel_loop3A_231 : i32 to vector<16xi32>
          %parallel_loop3A_233 = arith.minsi %parallel_loop3A_230, %parallel_loop3A_232 : vector<16xi32>
          %parallel_loop3A_234 = arith.constant 5 : i32
          %parallel_loop3A_235 = vector.broadcast %parallel_loop3A_234 : i32 to vector<16xi32>
          %parallel_loop3A_236 = arith.muli %parallel_loop3A_233, %parallel_loop3A_235 : vector<16xi32>
          %parallel_loop3A_237 = arith.constant 0 : i32
          %parallel_loop3A_238 = vector.broadcast %parallel_loop3A_237 : i32 to vector<16xi32>
          %parallel_loop3A_239 = arith.addi %parallel_loop3A_209, %parallel_loop3A_238 : vector<16xi32>
          %parallel_loop3A_240 = tpu.vector_load_idx %arg12[%parallel_loop3A_239] : memref<33xf32, #tpu.memory_space<vmem>>[vector<16xi32>], vector<16xf32>,
          %parallel_loop3A_241 = arith.constant 1 : i32
          %parallel_loop3A_242 = vector.broadcast %parallel_loop3A_241 : i32 to vector<16xi32>
          %parallel_loop3A_243 = arith.addi %parallel_loop3A_209, %parallel_loop3A_242 : vector<16xi32>
          %parallel_loop3A_244 = tpu.vector_load_idx %arg12[%parallel_loop3A_243] : memref<33xf32, #tpu.memory_space<vmem>>[vector<16xi32>], vector<16xf32>,
          %parallel_loop3A_245 = arith.constant 2 : i32
          %parallel_loop3A_246 = vector.broadcast %parallel_loop3A_245 : i32 to vector<16xi32>
          %parallel_loop3A_247 = arith.addi %parallel_loop3A_209, %parallel_loop3A_246 : vector<16xi32>
          %parallel_loop3A_248 = tpu.vector_load_idx %arg12[%parallel_loop3A_247] : memref<33xf32, #tpu.memory_space<vmem>>[vector<16xi32>], vector<16xf32>,
          %parallel_loop3A_249 = arith.constant 0 : i32
          %parallel_loop3A_250 = vector.broadcast %parallel_loop3A_249 : i32 to vector<16xi32>
          %parallel_loop3A_251 = arith.addi %parallel_loop3A_218, %parallel_loop3A_250 : vector<16xi32>
          %parallel_loop3A_252 = tpu.vector_load_idx %arg13[%parallel_loop3A_251] : memref<72xf32, #tpu.memory_space<vmem>>[vector<16xi32>], vector<16xf32>,
          %parallel_loop3A_253 = arith.constant 1 : i32
          %parallel_loop3A_254 = vector.broadcast %parallel_loop3A_253 : i32 to vector<16xi32>
          %parallel_loop3A_255 = arith.addi %parallel_loop3A_218, %parallel_loop3A_254 : vector<16xi32>
          %parallel_loop3A_256 = tpu.vector_load_idx %arg13[%parallel_loop3A_255] : memref<72xf32, #tpu.memory_space<vmem>>[vector<16xi32>], vector<16xf32>,
          %parallel_loop3A_257 = arith.constant 2 : i32
          %parallel_loop3A_258 = vector.broadcast %parallel_loop3A_257 : i32 to vector<16xi32>
          %parallel_loop3A_259 = arith.addi %parallel_loop3A_218, %parallel_loop3A_258 : vector<16xi32>
          %parallel_loop3A_260 = tpu.vector_load_idx %arg13[%parallel_loop3A_259] : memref<72xf32, #tpu.memory_space<vmem>>[vector<16xi32>], vector<16xf32>,
          %parallel_loop3A_261 = arith.constant 3 : i32
          %parallel_loop3A_262 = vector.broadcast %parallel_loop3A_261 : i32 to vector<16xi32>
          %parallel_loop3A_263 = arith.addi %parallel_loop3A_218, %parallel_loop3A_262 : vector<16xi32>
          %parallel_loop3A_264 = tpu.vector_load_idx %arg13[%parallel_loop3A_263] : memref<72xf32, #tpu.memory_space<vmem>>[vector<16xi32>], vector<16xf32>,
          %parallel_loop3A_265 = arith.constant 0 : i32
          %parallel_loop3A_266 = vector.broadcast %parallel_loop3A_265 : i32 to vector<16xi32>
          %parallel_loop3A_267 = arith.addi %parallel_loop3A_227, %parallel_loop3A_266 : vector<16xi32>
          %parallel_loop3A_268 = tpu.vector_load_idx %arg14[%parallel_loop3A_267] : memref<72xf32, #tpu.memory_space<vmem>>[vector<16xi32>], vector<16xf32>,
          %parallel_loop3A_269 = arith.constant 1 : i32
          %parallel_loop3A_270 = vector.broadcast %parallel_loop3A_269 : i32 to vector<16xi32>
          %parallel_loop3A_271 = arith.addi %parallel_loop3A_227, %parallel_loop3A_270 : vector<16xi32>
          %parallel_loop3A_272 = tpu.vector_load_idx %arg14[%parallel_loop3A_271] : memref<72xf32, #tpu.memory_space<vmem>>[vector<16xi32>], vector<16xf32>,
          %parallel_loop3A_273 = arith.constant 2 : i32
          %parallel_loop3A_274 = vector.broadcast %parallel_loop3A_273 : i32 to vector<16xi32>
          %parallel_loop3A_275 = arith.addi %parallel_loop3A_227, %parallel_loop3A_274 : vector<16xi32>
          %parallel_loop3A_276 = tpu.vector_load_idx %arg14[%parallel_loop3A_275] : memref<72xf32, #tpu.memory_space<vmem>>[vector<16xi32>], vector<16xf32>,
          %parallel_loop3A_277 = arith.constant 0 : i32
          %parallel_loop3A_278 = vector.broadcast %parallel_loop3A_277 : i32 to vector<16xi32>
          %parallel_loop3A_279 = arith.addi %parallel_loop3A_236, %parallel_loop3A_278 : vector<16xi32>
          %parallel_loop3A_280 = tpu.vector_load_idx %arg15[%parallel_loop3A_279] : memref<35xf32, #tpu.memory_space<vmem>>[vector<16xi32>], vector<16xf32>,
          %parallel_loop3A_281 = arith.constant 1 : i32
          %parallel_loop3A_282 = vector.broadcast %parallel_loop3A_281 : i32 to vector<16xi32>
          %parallel_loop3A_283 = arith.addi %parallel_loop3A_236, %parallel_loop3A_282 : vector<16xi32>
          %parallel_loop3A_284 = tpu.vector_load_idx %arg15[%parallel_loop3A_283] : memref<35xf32, #tpu.memory_space<vmem>>[vector<16xi32>], vector<16xf32>,
          %parallel_loop3A_285 = arith.constant 2 : i32
          %parallel_loop3A_286 = vector.broadcast %parallel_loop3A_285 : i32 to vector<16xi32>
          %parallel_loop3A_287 = arith.addi %parallel_loop3A_236, %parallel_loop3A_286 : vector<16xi32>
          %parallel_loop3A_288 = tpu.vector_load_idx %arg15[%parallel_loop3A_287] : memref<35xf32, #tpu.memory_space<vmem>>[vector<16xi32>], vector<16xf32>,
          %parallel_loop3A_289 = arith.constant 3 : i32
          %parallel_loop3A_290 = vector.broadcast %parallel_loop3A_289 : i32 to vector<16xi32>
          %parallel_loop3A_291 = arith.addi %parallel_loop3A_236, %parallel_loop3A_290 : vector<16xi32>
          %parallel_loop3A_292 = tpu.vector_load_idx %arg15[%parallel_loop3A_291] : memref<35xf32, #tpu.memory_space<vmem>>[vector<16xi32>], vector<16xf32>,
          %parallel_loop3A_293 = arith.constant 4 : i32
          %parallel_loop3A_294 = vector.broadcast %parallel_loop3A_293 : i32 to vector<16xi32>
          %parallel_loop3A_295 = arith.addi %parallel_loop3A_236, %parallel_loop3A_294 : vector<16xi32>
          %parallel_loop3A_296 = tpu.vector_load_idx %arg15[%parallel_loop3A_295] : memref<35xf32, #tpu.memory_space<vmem>>[vector<16xi32>], vector<16xf32>,
          %parallel_loop3A_297 = arith.constant 0 : i32
          %parallel_loop3A_298 = arith.index_cast %parallel_loop3A_297 : i32 to index
          %parallel_loop3A_299 = arith.index_cast %scan3A_177 : i32 to index
          %parallel_loop3A_300 = arith.index_cast %parallel_loop3A_180 : i32 to index
          %parallel_loop3A_301 = tpu.vector_load %arg11[%parallel_loop3A_298, %parallel_loop3A_299, %parallel_loop3A_300] {strides = array<i32>} : memref<15x8x256xf32, #tpu.memory_space<vmem>>, vector<16xf32>,
          tpu.vector_store %arg11[%parallel_loop3A_298, %parallel_loop3A_299, %parallel_loop3A_300], %parallel_loop3A_240 {strides = array<i32>} : memref<15x8x256xf32, #tpu.memory_space<vmem>>, vector<16xf32>,
          %parallel_loop3A_302 = arith.constant 1 : i32
          %parallel_loop3A_303 = arith.index_cast %parallel_loop3A_302 : i32 to index
          %parallel_loop3A_304 = arith.index_cast %scan3A_177 : i32 to index
          %parallel_loop3A_305 = arith.index_cast %parallel_loop3A_180 : i32 to index
          %parallel_loop3A_306 = tpu.vector_load %arg11[%parallel_loop3A_303, %parallel_loop3A_304, %parallel_loop3A_305] {strides = array<i32>} : memref<15x8x256xf32, #tpu.memory_space<vmem>>, vector<16xf32>,
          tpu.vector_store %arg11[%parallel_loop3A_303, %parallel_loop3A_304, %parallel_loop3A_305], %parallel_loop3A_244 {strides = array<i32>} : memref<15x8x256xf32, #tpu.memory_space<vmem>>, vector<16xf32>,
          %parallel_loop3A_307 = arith.constant 2 : i32
          %parallel_loop3A_308 = arith.index_cast %parallel_loop3A_307 : i32 to index
          %parallel_loop3A_309 = arith.index_cast %scan3A_177 : i32 to index
          %parallel_loop3A_310 = arith.index_cast %parallel_loop3A_180 : i32 to index
          %parallel_loop3A_311 = tpu.vector_load %arg11[%parallel_loop3A_308, %parallel_loop3A_309, %parallel_loop3A_310] {strides = array<i32>} : memref<15x8x256xf32, #tpu.memory_space<vmem>>, vector<16xf32>,
          tpu.vector_store %arg11[%parallel_loop3A_308, %parallel_loop3A_309, %parallel_loop3A_310], %parallel_loop3A_248 {strides = array<i32>} : memref<15x8x256xf32, #tpu.memory_space<vmem>>, vector<16xf32>,
          %parallel_loop3A_312 = arith.constant 3 : i32
          %parallel_loop3A_313 = arith.index_cast %parallel_loop3A_312 : i32 to index
          %parallel_loop3A_314 = arith.index_cast %scan3A_177 : i32 to index
          %parallel_loop3A_315 = arith.index_cast %parallel_loop3A_180 : i32 to index
          %parallel_loop3A_316 = tpu.vector_load %arg11[%parallel_loop3A_313, %parallel_loop3A_314, %parallel_loop3A_315] {strides = array<i32>} : memref<15x8x256xf32, #tpu.memory_space<vmem>>, vector<16xf32>,
          tpu.vector_store %arg11[%parallel_loop3A_313, %parallel_loop3A_314, %parallel_loop3A_315], %parallel_loop3A_252 {strides = array<i32>} : memref<15x8x256xf32, #tpu.memory_space<vmem>>, vector<16xf32>,
          %parallel_loop3A_317 = arith.constant 4 : i32
          %parallel_loop3A_318 = arith.index_cast %parallel_loop3A_317 : i32 to index
          %parallel_loop3A_319 = arith.index_cast %scan3A_177 : i32 to index
          %parallel_loop3A_320 = arith.index_cast %parallel_loop3A_180 : i32 to index
          %parallel_loop3A_321 = tpu.vector_load %arg11[%parallel_loop3A_318, %parallel_loop3A_319, %parallel_loop3A_320] {strides = array<i32>} : memref<15x8x256xf32, #tpu.memory_space<vmem>>, vector<16xf32>,
          tpu.vector_store %arg11[%parallel_loop3A_318, %parallel_loop3A_319, %parallel_loop3A_320], %parallel_loop3A_256 {strides = array<i32>} : memref<15x8x256xf32, #tpu.memory_space<vmem>>, vector<16xf32>,
          %parallel_loop3A_322 = arith.constant 5 : i32
          %parallel_loop3A_323 = arith.index_cast %parallel_loop3A_322 : i32 to index
          %parallel_loop3A_324 = arith.index_cast %scan3A_177 : i32 to index
          %parallel_loop3A_325 = arith.index_cast %parallel_loop3A_180 : i32 to index
          %parallel_loop3A_326 = tpu.vector_load %arg11[%parallel_loop3A_323, %parallel_loop3A_324, %parallel_loop3A_325] {strides = array<i32>} : memref<15x8x256xf32, #tpu.memory_space<vmem>>, vector<16xf32>,
          tpu.vector_store %arg11[%parallel_loop3A_323, %parallel_loop3A_324, %parallel_loop3A_325], %parallel_loop3A_260 {strides = array<i32>} : memref<15x8x256xf32, #tpu.memory_space<vmem>>, vector<16xf32>,
          %parallel_loop3A_327 = arith.constant 6 : i32
          %parallel_loop3A_328 = arith.index_cast %parallel_loop3A_327 : i32 to index
          %parallel_loop3A_329 = arith.index_cast %scan3A_177 : i32 to index
          %parallel_loop3A_330 = arith.index_cast %parallel_loop3A_180 : i32 to index
          %parallel_loop3A_331 = tpu.vector_load %arg11[%parallel_loop3A_328, %parallel_loop3A_329, %parallel_loop3A_330] {strides = array<i32>} : memref<15x8x256xf32, #tpu.memory_space<vmem>>, vector<16xf32>,
          tpu.vector_store %arg11[%parallel_loop3A_328, %parallel_loop3A_329, %parallel_loop3A_330], %parallel_loop3A_264 {strides = array<i32>} : memref<15x8x256xf32, #tpu.memory_space<vmem>>, vector<16xf32>,
          %parallel_loop3A_332 = arith.constant 7 : i32
          %parallel_loop3A_333 = arith.index_cast %parallel_loop3A_332 : i32 to index
          %parallel_loop3A_334 = arith.index_cast %scan3A_177 : i32 to index
          %parallel_loop3A_335 = arith.index_cast %parallel_loop3A_180 : i32 to index
          %parallel_loop3A_336 = tpu.vector_load %arg11[%parallel_loop3A_333, %parallel_loop3A_334, %parallel_loop3A_335] {strides = array<i32>} : memref<15x8x256xf32, #tpu.memory_space<vmem>>, vector<16xf32>,
          tpu.vector_store %arg11[%parallel_loop3A_333, %parallel_loop3A_334, %parallel_loop3A_335], %parallel_loop3A_268 {strides = array<i32>} : memref<15x8x256xf32, #tpu.memory_space<vmem>>, vector<16xf32>,
          %parallel_loop3A_337 = arith.constant 8 : i32
          %parallel_loop3A_338 = arith.index_cast %parallel_loop3A_337 : i32 to index
          %parallel_loop3A_339 = arith.index_cast %scan3A_177 : i32 to index
          %parallel_loop3A_340 = arith.index_cast %parallel_loop3A_180 : i32 to index
          %parallel_loop3A_341 = tpu.vector_load %arg11[%parallel_loop3A_338, %parallel_loop3A_339, %parallel_loop3A_340] {strides = array<i32>} : memref<15x8x256xf32, #tpu.memory_space<vmem>>, vector<16xf32>,
          tpu.vector_store %arg11[%parallel_loop3A_338, %parallel_loop3A_339, %parallel_loop3A_340], %parallel_loop3A_272 {strides = array<i32>} : memref<15x8x256xf32, #tpu.memory_space<vmem>>, vector<16xf32>,
          %parallel_loop3A_342 = arith.constant 9 : i32
          %parallel_loop3A_343 = arith.index_cast %parallel_loop3A_342 : i32 to index
          %parallel_loop3A_344 = arith.index_cast %scan3A_177 : i32 to index
          %parallel_loop3A_345 = arith.index_cast %parallel_loop3A_180 : i32 to index
          %parallel_loop3A_346 = tpu.vector_load %arg11[%parallel_loop3A_343, %parallel_loop3A_344, %parallel_loop3A_345] {strides = array<i32>} : memref<15x8x256xf32, #tpu.memory_space<vmem>>, vector<16xf32>,
          tpu.vector_store %arg11[%parallel_loop3A_343, %parallel_loop3A_344, %parallel_loop3A_345], %parallel_loop3A_276 {strides = array<i32>} : memref<15x8x256xf32, #tpu.memory_space<vmem>>, vector<16xf32>,
          %parallel_loop3A_347 = arith.constant 10 : i32
          %parallel_loop3A_348 = arith.index_cast %parallel_loop3A_347 : i32 to index
          %parallel_loop3A_349 = arith.index_cast %scan3A_177 : i32 to index
          %parallel_loop3A_350 = arith.index_cast %parallel_loop3A_180 : i32 to index
          %parallel_loop3A_351 = tpu.vector_load %arg11[%parallel_loop3A_348, %parallel_loop3A_349, %parallel_loop3A_350] {strides = array<i32>} : memref<15x8x256xf32, #tpu.memory_space<vmem>>, vector<16xf32>,
          tpu.vector_store %arg11[%parallel_loop3A_348, %parallel_loop3A_349, %parallel_loop3A_350], %parallel_loop3A_280 {strides = array<i32>} : memref<15x8x256xf32, #tpu.memory_space<vmem>>, vector<16xf32>,
          %parallel_loop3A_352 = arith.constant 11 : i32
          %parallel_loop3A_353 = arith.index_cast %parallel_loop3A_352 : i32 to index
          %parallel_loop3A_354 = arith.index_cast %scan3A_177 : i32 to index
          %parallel_loop3A_355 = arith.index_cast %parallel_loop3A_180 : i32 to index
          %parallel_loop3A_356 = tpu.vector_load %arg11[%parallel_loop3A_353, %parallel_loop3A_354, %parallel_loop3A_355] {strides = array<i32>} : memref<15x8x256xf32, #tpu.memory_space<vmem>>, vector<16xf32>,
          tpu.vector_store %arg11[%parallel_loop3A_353, %parallel_loop3A_354, %parallel_loop3A_355], %parallel_loop3A_284 {strides = array<i32>} : memref<15x8x256xf32, #tpu.memory_space<vmem>>, vector<16xf32>,
          %parallel_loop3A_357 = arith.constant 12 : i32
          %parallel_loop3A_358 = arith.index_cast %parallel_loop3A_357 : i32 to index
          %parallel_loop3A_359 = arith.index_cast %scan3A_177 : i32 to index
          %parallel_loop3A_360 = arith.index_cast %parallel_loop3A_180 : i32 to index
          %parallel_loop3A_361 = tpu.vector_load %arg11[%parallel_loop3A_358, %parallel_loop3A_359, %parallel_loop3A_360] {strides = array<i32>} : memref<15x8x256xf32, #tpu.memory_space<vmem>>, vector<16xf32>,
          tpu.vector_store %arg11[%parallel_loop3A_358, %parallel_loop3A_359, %parallel_loop3A_360], %parallel_loop3A_288 {strides = array<i32>} : memref<15x8x256xf32, #tpu.memory_space<vmem>>, vector<16xf32>,
          %parallel_loop3A_362 = arith.constant 13 : i32
          %parallel_loop3A_363 = arith.index_cast %parallel_loop3A_362 : i32 to index
          %parallel_loop3A_364 = arith.index_cast %scan3A_177 : i32 to index
          %parallel_loop3A_365 = arith.index_cast %parallel_loop3A_180 : i32 to index
          %parallel_loop3A_366 = tpu.vector_load %arg11[%parallel_loop3A_363, %parallel_loop3A_364, %parallel_loop3A_365] {strides = array<i32>} : memref<15x8x256xf32, #tpu.memory_space<vmem>>, vector<16xf32>,
          tpu.vector_store %arg11[%parallel_loop3A_363, %parallel_loop3A_364, %parallel_loop3A_365], %parallel_loop3A_292 {strides = array<i32>} : memref<15x8x256xf32, #tpu.memory_space<vmem>>, vector<16xf32>,
          %parallel_loop3A_367 = arith.constant 14 : i32
          %parallel_loop3A_368 = arith.index_cast %parallel_loop3A_367 : i32 to index
          %parallel_loop3A_369 = arith.index_cast %scan3A_177 : i32 to index
          %parallel_loop3A_370 = arith.index_cast %parallel_loop3A_180 : i32 to index
          %parallel_loop3A_371 = tpu.vector_load %arg11[%parallel_loop3A_368, %parallel_loop3A_369, %parallel_loop3A_370] {strides = array<i32>} : memref<15x8x256xf32, #tpu.memory_space<vmem>>, vector<16xf32>,
          tpu.vector_store %arg11[%parallel_loop3A_368, %parallel_loop3A_369, %parallel_loop3A_370], %parallel_loop3A_296 {strides = array<i32>} : memref<15x8x256xf32, #tpu.memory_space<vmem>>, vector<16xf32>,
        } {sc.loop_unroll_factor = 2 : i64, sc.parallel_access}
      }
      %scan3A_127 = arith.constant 8 : i32
      %jit3A_128 = arith.constant 2 : i32
      %div3A_129 = arith.divsi %add3A_101, %jit3A_128 : i32
      %sign3A_130 = arith.constant 0 : i32
      %sign3A_131 = arith.cmpi sgt, %add3A_101, %sign3A_130 : i32
      %sign3A_132 = arith.extui %sign3A_131 : i1 to i32
      %sign3A_133 = arith.constant 0 : i32
      %sign3A_134 = arith.cmpi slt, %add3A_101, %sign3A_133 : i32
      %sign3A_135 = arith.extui %sign3A_134 : i1 to i32
      %sign3A_136 = arith.subi %sign3A_132, %sign3A_135 : i32
      %sign3A_137 = arith.constant 0 : i32
      %sign3A_138 = arith.cmpi sgt, %jit3A_128, %sign3A_137 : i32
      %sign3A_139 = arith.extui %sign3A_138 : i1 to i32
      %sign3A_140 = arith.constant 0 : i32
      %sign3A_141 = arith.cmpi slt, %jit3A_128, %sign3A_140 : i32
      %sign3A_142 = arith.extui %sign3A_141 : i1 to i32
      %sign3A_143 = arith.subi %sign3A_139, %sign3A_142 : i32
      %ne3A_144 = arith.cmpi ne, %sign3A_136, %sign3A_143 : i32
      %rem3A_145 = arith.remsi %add3A_101, %jit3A_128 : i32
      %ne3A_146 = arith.constant 0 : i32
      %ne3A_147 = arith.cmpi ne, %rem3A_145, %ne3A_146 : i32
      %and3A_148 = arith.andi %ne3A_144, %ne3A_147 : i1
      %sub3A_149 = arith.constant 1 : i32
      %sub3A_150 = arith.subi %div3A_129, %sub3A_149 : i32
      %select_n3A_151 = arith.select %and3A_148, %sub3A_150, %div3A_129 : i32
      %mul3A_152 = arith.constant 8 : i32
      %mul3A_153 = arith.muli %select_n3A_151, %mul3A_152 : i32
      %jit3A_154 = arith.constant 2 : i32
      %eq3A_155 = arith.constant 0 : i32
      %eq3A_156 = arith.cmpi eq, %jit3A_154, %eq3A_155 : i32
      %jit3A_157 = arith.constant 1 : i32
      %select_n3A_158 = arith.select %eq3A_156, %jit3A_157, %jit3A_154 : i32
      %rem3A_159 = arith.remsi %add3A_101, %select_n3A_158 : i32
      %ne3A_160 = arith.constant 0 : i32
      %ne3A_161 = arith.cmpi ne, %rem3A_159, %ne3A_160 : i32
      %lt3A_162 = arith.constant 0 : i32
      %lt3A_163 = arith.cmpi slt, %rem3A_159, %lt3A_162 : i32
      %lt3A_164 = arith.constant 0 : i32
      %lt3A_165 = arith.cmpi slt, %select_n3A_158, %lt3A_164 : i32
      %ne3A_166 = arith.xori %lt3A_163, %lt3A_165 : i1
      %and3A_167 = arith.andi %ne3A_166, %ne3A_161 : i1
      %add3A_168 = arith.addi %rem3A_159, %select_n3A_158 : i32
      %select_n3A_169 = arith.select %and3A_167, %add3A_168, %rem3A_159 : i32
      %mul3A_170 = arith.constant 256 : i32
      %mul3A_171 = arith.muli %select_n3A_169, %mul3A_170 : i32
      %add3A_172 = arith.addi %mul3A_2, %mul3A_171 : i32
      %dma_start3A_173 = arith.constant 0 : i32
      %dma_start3A_174 = tpu.memref_slice %arg7[%dma_start3A_173, %mul3A_153, %add3A_172] : memref<15x200x16384xf32, #tpu.memory_space<hbm>> -> memref<15x8x256xf32, #tpu.memory_space<hbm>>
      %dma_start3A_175 = arith.constant 0 : i32
      %dma_start3A_176 = tpu.memref_slice %arg7[%dma_start3A_175, %mul3A_153, %add3A_172] : memref<15x200x16384xf32, #tpu.memory_space<hbm>> -> memref<15x8x256xf32, #tpu.memory_space<hbm>>
      tpu.enqueue_dma source(%arg11 : memref<15x8x256xf32, #tpu.memory_space<vmem>>) target(%dma_start3A_176 : memref<15x8x256xf32, #tpu.memory_space<hbm>>) target_semaphore(%arg19 : memref<!tpu.dma_semaphore, #tpu.memory_space<semaphore_mem>>)
    }
    %scan3A_15 = arith.constant 25 : i32
    %dma_wait3A = arith.constant 0 : i32
    %dma_wait3A_16 = arith.constant 0 : i32
    %dma_wait3A_17 = arith.constant 0 : i32
    %dma_wait3A_18 = tpu.memref_slice %arg7[%dma_wait3A, %dma_wait3A_16, %dma_wait3A_17] : memref<15x200x16384xf32, #tpu.memory_space<hbm>> -> memref<15x8x256xf32, #tpu.memory_space<hbm>>
    %dma_wait3A_19 = arith.constant 0 : i32
    %dma_wait3A_20 = arith.constant 0 : i32
    %dma_wait3A_21 = arith.constant 0 : i32
    %dma_wait3A_22 = tpu.memref_slice %arg7[%dma_wait3A_19, %dma_wait3A_20, %dma_wait3A_21] : memref<15x200x16384xf32, #tpu.memory_space<hbm>> -> memref<15x8x256xf32, #tpu.memory_space<hbm>>
    tpu.wait_dma2 semaphore(%arg18 : memref<!tpu.dma_semaphore, #tpu.memory_space<semaphore_mem>>) src(%arg10 : memref<15x8x256xf32, #tpu.memory_space<vmem>>) dst(%dma_wait3A_22 : memref<15x8x256xf32, #tpu.memory_space<hbm>>)
    %dma_wait3A_23 = arith.constant 0 : i32
    %dma_wait3A_24 = arith.constant 0 : i32
    %dma_wait3A_25 = arith.constant 0 : i32
    %dma_wait3A_26 = tpu.memref_slice %arg7[%dma_wait3A_23, %dma_wait3A_24, %dma_wait3A_25] : memref<15x200x16384xf32, #tpu.memory_space<hbm>> -> memref<15x8x256xf32, #tpu.memory_space<hbm>>
    %dma_wait3A_27 = arith.constant 0 : i32
    %dma_wait3A_28 = arith.constant 0 : i32
    %dma_wait3A_29 = arith.constant 0 : i32
    %dma_wait3A_30 = tpu.memref_slice %arg7[%dma_wait3A_27, %dma_wait3A_28, %dma_wait3A_29] : memref<15x200x16384xf32, #tpu.memory_space<hbm>> -> memref<15x8x256xf32, #tpu.memory_space<hbm>>
    tpu.wait_dma2 semaphore(%arg19 : memref<!tpu.dma_semaphore, #tpu.memory_space<semaphore_mem>>) src(%arg11 : memref<15x8x256xf32, #tpu.memory_space<vmem>>) dst(%dma_wait3A_30 : memref<15x8x256xf32, #tpu.memory_space<hbm>>)
    return
  }
}

</mosaic_0001>

<sc_bundles>
// kernel: kernel.3.cloned.1.call-start
scs
__scs_entry_jumppad:
0x0: {  	(pc) =	sbr.rel $0x88, $3  }
0x1: {  	(tag) =	ssettag $0x0;
	lr =	simm.s32 $0x1  }
0x2: {  	[smem:$0x3F9C] =	sst lr;
	_ =	strace $0xD0000000  }
0x3: {  	_ = 	snop  }
0x4: {  	_ = 	snop  }
0x5: {  	_ = 	snop  }
0x6: {  	_ = 	snop  }
0x7: {  	_ = 	snop  }
__scs_overlays_trampoline_lowered:
0x8: {  	[smem:$0x3FAB] =	sst s0  }
0x9: {  	[smem:$0x3FAC] =	sst s1  }
0xa: {  	[smem:$0x3FAD] =	sst s2  }
0xb: {  	[smem:$0x3FAE] =	sst s3  }
0xc: {  	[smem:$0x3FAF] =	sst s4  }
0xd: {  	[smem:$0x3FB0] =	sst s5  }
0xe: {  	[smem:$0x3FB1] =	sst s6  }
0xf: {  	[smem:$0x3FB2] =	sst s7  }
0x10: {  	[smem:$0x3FB3] =	sst s8  }
0x11: {  	[smem:$0x3FB4] =	sst s9;
	s0 =	simm.s32 @!p0 $0x0  }
0x12: {  	s1 =	sld [smem:$0x3F9A];
	s0 =	simm.s32 @p0 $0x1  }
0x13: {  	[smem:$0x3FB5] =	sst s0;
	s0 =	simm.s32 @!p1 $0x0  }
0x14: {  	s2 =	sld [smem:$0x3F99];
	s0 =	simm.s32 @p1 $0x1  }
0x15: {  	[smem:$0x3FB6] =	sst s0;
	s0 =	simm.s32 @!p2 $0x0  }
0x16: {  	s3 =	sld [smem:$0x3FDB];
	s0 =	simm.s32 @p2 $0x1  }
0x17: {  	s4 =	simm.s32 $0x1BF5;
	[smem:$0x3FB8] =	sst s0  }
0x18: {  	s0 =	sld [smem:$0x3F9B];
	_ =	swait.ge [sflag:s4], $0x0  }
0x19: {  	s7 =	sld [smem:$0x3F9C]  }
0x1a: {  	s8 =	sadd.s32 $0xFFFFE003, lr  }
0x1b: {  	s9 =	sadd.s32 $0xFFFFFEF7, lr;
	s5 =	simm.s32 $0xFFFFFFFF;
	p2 =	slt.u32 s8, $0xFFFFF086  }
0x1c: {  	p1 =	slt.u32 s9, $0xF7A;
	s5 =	simm.s32 @!p2 $0x0  }
0x1d: {  	s5 =	simm.s32 @p1 $0x1;
	p0 =	seq.s32 s7, s2  }
0x1e: {  	s7 =	smul.u32 @!p0 $0xF7A, s2;
	p2 =	seq.s32 @!p0 s5, $0x0  }
0x1f: {  	s9 =	smul.u32 $0xF7A, s1;
	s8 =	simm.s32 @!p0 $0x1BF5;
	p2 =	por !p2, p0  }
0x20: {  	[sflag:s8] =	ssyncset.s32 @!p0 $0xFFFFF086;
	s6 =	sadd.s32 @!p0 s3, s7;
	s7 =	simm.s32 @!p0 $0x108  }
0x21: {  	s3 =	sadd.s32 s3, s9;
	s6 =	sadd.s32 @!p0 $0x88, s6;
	s7 =	simm.s32 @p2 $0x1082  }
0x22: {  	[simem:s7], [sflag:s8] =	dma.local @!p0 [hbm:s6], $0xF7A  }
0x23: {  	s9 =	sor.u32 $0xD0000000, s2;
	s6 =	simm.s32 $0x108;
	_ =	swait.ge @!p0 [sflag:s8], $0x0  }
0x24: {  	s3 =	sadd.s32 $0x88, s3;
	s6 =	simm.s32 @!p1 $0x1082;
	[sflag:s4] =	ssyncset.s32 $0xFFFFF086  }
0x25: {  	[simem:s6], [sflag:s4] =	dma.local [hbm:s3], $0xF7A  }
0x26: {  	[smem:$0x3F9C] =	sst s1;
	(tag) =	ssettag s2;
	_ =	strace s9  }
0x27: {  	s1 =	sld [smem:$0x3FAC]  }
0x28: {  	s2 =	sld [smem:$0x3FAD]  }
0x29: {  	s4 =	sld [smem:$0x3FAF]  }
0x2a: {  	p0 =	seq.s32 s5, $0x0;
	s5 =	sld [smem:$0x3FB0]  }
0x2b: {  	s6 =	sld [smem:$0x3FB1]  }
0x2c: {  	s7 =	sld [smem:$0x3FB2]  }
0x2d: {  	s3 =	simm.s32 $0x108;
	s8 =	sld [smem:$0x3FB3]  }
0x2e: {  	s3 =	simm.s32 @!p0 $0x1082;
	s9 =	sld [smem:$0x3FB4]  }
0x2f: {  	lr =	sadd.s32 s0, s3;
	s0 =	sld [smem:$0x3FAB]  }
0x30: {  	s3 =	sld [smem:$0x3FAE]  }
0x31: {  	[smem:$0x3FB7] =	sst s10  }
0x32: {  	s10 =	sld [smem:$0x3FB5];
	_ =	sdelay $0x3  }
0x33: {  	p0 =	seq.s32 s10, $0x1;
	s10 =	sld [smem:$0x3FB7];
	_ =	sdelay $0x3  }
0x34: {  	[smem:$0x3FB7] =	sst s10  }
0x35: {  	s10 =	sld [smem:$0x3FB6];
	_ =	sdelay $0x3  }
0x36: {  	p1 =	seq.s32 s10, $0x1;
	s10 =	sld [smem:$0x3FB7];
	_ =	sdelay $0x3  }
0x37: {  	[smem:$0x3FB7] =	sst s10  }
0x38: {  	s10 =	sld [smem:$0x3FB8]  }
0x39: {  	_ = 	snop;
	(pc) =	sbr.ind lr, $3  }
0x3a: {  	_ = 	snop  }
0x3b: {  	_ = 	snop  }
0x3c: {  	p2 =	seq.s32 s10, $0x1;
	s10 =	sld [smem:$0x3FB7]  }
0x3d: {  	_ =	shalt  }
0x3e: {  	_ =	shalt  }
0x3f: {  	_ =	shalt  }
0x40: {  	_ =	shalt  }
0x41: {  	_ =	shalt  }
0x42: {  	_ =	shalt  }
0x43: {  	_ =	shalt  }
0x44: {  	_ =	shalt  }
0x45: {  	_ =	shalt  }
0x46: {  	_ =	shalt  }
0x47: {  	_ =	shalt  }
0x48: {  	_ =	shalt  }
0x49: {  	_ =	shalt  }
0x4a: {  	_ =	shalt  }
0x4b: {  	_ =	shalt  }
0x4c: {  	_ =	shalt  }
0x4d: {  	_ =	shalt  }
0x4e: {  	_ =	shalt  }
0x4f: {  	_ =	shalt  }
0x50: {  	_ =	shalt  }
0x51: {  	_ =	shalt  }
0x52: {  	_ =	shalt  }
0x53: {  	_ =	shalt  }
0x54: {  	_ =	shalt  }
0x55: {  	_ =	shalt  }
0x56: {  	_ =	shalt  }
0x57: {  	_ =	shalt  }
0x58: {  	_ =	shalt  }
0x59: {  	_ =	shalt  }
0x5a: {  	_ =	shalt  }
0x5b: {  	_ =	shalt  }
0x5c: {  	_ =	shalt  }
0x5d: {  	_ =	shalt  }
0x5e: {  	_ =	shalt  }
0x5f: {  	_ =	shalt  }
0x60: {  	_ =	shalt  }
0x61: {  	_ =	shalt  }
0x62: {  	_ =	shalt  }
0x63: {  	_ =	shalt  }
0x64: {  	_ =	shalt  }
0x65: {  	_ =	shalt  }
0x66: {  	_ =	shalt  }
0x67: {  	_ =	shalt  }
0x68: {  	_ =	shalt  }
0x69: {  	_ =	shalt  }
0x6a: {  	_ =	shalt  }
0x6b: {  	_ =	shalt  }
0x6c: {  	_ =	shalt  }
0x6d: {  	_ =	shalt  }
0x6e: {  	_ =	shalt  }
0x6f: {  	_ =	shalt  }
0x70: {  	_ =	shalt  }
0x71: {  	_ =	shalt  }
0x72: {  	_ =	shalt  }
0x73: {  	_ =	shalt  }
0x74: {  	_ =	shalt  }
0x75: {  	_ =	shalt  }
0x76: {  	_ =	shalt  }
0x77: {  	_ =	shalt  }
0x78: {  	_ =	shalt  }
0x79: {  	_ =	shalt  }
0x7a: {  	_ =	shalt  }
0x7b: {  	_ =	shalt  }
0x7c: {  	_ =	shalt  }
0x7d: {  	_ =	shalt  }
0x7e: {  	_ =	shalt  }
0x7f: {  	_ =	shalt  }
0x80: {  	_ =	shalt  }
0x81: {  	_ =	shalt  }
0x82: {  	_ =	shalt  }
0x83: {  	_ =	shalt  }
0x84: {  	_ =	shalt  }
0x85: {  	_ =	shalt  }
0x86: {  	_ =	shalt  }
0x87: {  	_ =	shalt  }
.Lfunc_end0:
.L_simem_size_0:
called_computation_lowered:
.L_overlay_start_0:
0x88: {  	s2 =	sld [smem:$0x3FD9]  }
0x89: {  	s3 =	sld [smem:$0x3FFE];
	_ =	sdelay $0x1  }
0x8a: {  	s1 =	srdreg.scid  }
0x8b: {  	s0 =	sand.u32 $0x1, s1  }
0x8c: {  	s17 =	sshll.u32 s0, $0xA;
	s2 =	sadd.s32 s3, s2  }
0x8d: {  	s2 =	sadd.s32 s2, s17  }
0x8e: {  	[smem:$0x3FC3] =	sst s2  }
0x8f: {  	_ = 	snop  }
0x90: {  	s2 =	sld [smem:$0x3FC9]  }
0x91: {  	s18 =	sld [smem:$0x3FD0];
	(tm) =	ssettm $0x1  }
0x92: {  	s4 =	sld [smem:$0x3FFB];
	_ =	sdelay $0x3  }
0x93: {  	_ =	strace s4  }
0x94: {  	s4 =	sld [smem:$0x3FFC];
	_ =	sdelay $0x3  }
0x95: {  	_ =	strace s4  }
0x96: {  	s4 =	sld [smem:$0x3FFD];
	_ =	sdelay $0x3  }
0x97: {  	_ =	strace s4  }
0x98: {  	_ =	strace $0x8FFFFFFF  }
0x99: {  	s19 =	sld [smem:$0x3FDB];
	_ =	sdelay $0x1  }
0x9a: {  	s5 =	simm.s32 $_scs_section_size  }
0x9b: {  	s6 =	simm.s32 $_size__tile_overlayer_lowered;
	s7 =	simm.s32 $_tile_overlayer_lowered  }
0x9c: {  	s22 =	simm.s32 $0x1BFF;
	s21 =	sshll.u32 s7, $0x1;
	s4 =	sadd.s32 s5, s19  }
0x9d: {  	s8 =	simm.s32 $0x0;
	s20 =	sshll.u32 s6, $0x1;
	s6 =	sadd.s32 s21, s4  }
0x9e: {  	[timem:s8], [sflag:s22] =	dma.local [hbm:s6], s20  }
0x9f: {  	_ =	swait.ge [sflag:s22], s20  }
0xa0: {  	s5 =	ssub.s32 $0x0, s20;
	[sflag:s22] =	ssyncset.done $0x0  }
0xa1: {  	[sflag:s22] =	ssyncadd.s32 s5;
	_ =	sdelay $0x1  }
0xa2: {  	s23 =	simm.s32 $0x1B8B  }
0xa3: {  	_ =	swait.ge [sflag:s23], $0x1  }
0xa4: {  	[sflag:s23] =	ssyncset.done $0x0  }
0xa5: {  	s25 =	simm.s32 $0x1B8E;
	s24 =	sld [smem:$0x3FFE];
	[sflag:s23] =	ssyncadd.s32 $0xFFFFFFFF  }
0xa6: {  	s26 =	simm.s32 $execute0_lowered;
	[smem:$0x3FD2] =	sst s25  }
0xa7: {  	s6 =	sshll.u32 s26, $0x1;
	_ =	strace $0x80000046;
	[dreg:$0x1] =	wrdreg $0xFFFFFFFF  }
0xa8: {  	s28 =	simm.s32 $_size_execute0_lowered;
	s4 =	sadd.s32 s4, s6;
	[dreg:$0x0] =	wrdreg $0x0  }
0xa9: {  	s6 =	sshll.u32 s28, $0x1;
	[dreg:$0x2] =	wrdreg s4  }
0xaa: {  	[dreg:$0x3] =	wrdreg s6  }
0xab: {  	[dreg:$0x4] =	wrdreg $0xC0  }
0xac: {  	_ =	task [dreg:s8], $0x5FFFF  }
0xad: {  	[dreg:$0x1] =	wrdreg $0xFFFFFFFF  }
0xae: {  	[dreg:$0x0] =	wrdreg $0x60  }
0xaf: {  	[dreg:$0x2] =	wrdreg s2  }
0xb0: {  	[dreg:$0x3] =	wrdreg s24  }
0xb1: {  	[dreg:$0x4] =	wrdreg s18  }
0xb2: {  	[dreg:$0x5] =	wrdreg $0x9  }
0xb3: {  	_ =	task.clear_ibuf [dreg:s8], $0x6FFFF;
	_ =	strace $0x90000046  }
0xb4: {  	s29 =	simm.s32 $0x9;
	_ =	strace $0x80000048  }
0xb5: {  	_ =	swait.ge [sflag:s29], $0x1  }
0xb6: {  	[sflag:s29] =	ssyncadd.s32 $0xFFFFFFFF  }
0xb7: {  	_ =	strace $0x90000048  }
0xb8: {  	_ =	sfence  }
0xb9: {  	s30 =	sld [smem:$0x0];
	_ =	sdelay $0x2  }
0xba: {  	s31 =	sshll.u32 s1, $0xD;
	s1 =	sshrl.u32 s1, $0x2  }
0xbb: {  	s3 =	sand.u32 $0x4000, s31;
	s1 =	sadd.s32 s1, s30  }
0xbc: {  	s0 =	sor.u32 s3, s0;
	s1 =	sshll.u32 s1, $0x11  }
0xbd: {  	s0 =	sor.u32 s1, s0  }
0xbe: {  	s0 =	sadd.s32 $0x8F2B, s0  }
0xbf: {  	[sflag:s0] =	ssyncadd.remote.s32 $0x1  }
0xc0: {  	_ =	sfence.sel $0xFFFF  }
0xc1: {  	[dreg:$0x0] =	wrdreg $0xFFFFFFFF;
	(pc) =	sbr.abs _section_cstart, $3  }
0xc2: {  	[dreg:$0x1] =	wrdreg $0xFFFFFFFF  }
0xc3: {  	_ =	task.clear_ibuf [dreg:s8], $0x2FFFF;
	_ =	strace $0x9FFFFFFF  }
0xc4: {  	(tm) =	ssettm $0x7FFFFFFF  }
0xc5: {  	_ =	shalt  }
tec
execute0_lowered:
.L_overlay_start_1:
0x0: {  	(tag) =	ssettag $0x1  }
0x1: {  	s6 =	rddreg [dreg:$0x0]  }
0x2: {  	s0 =	rddreg [dreg:$0x1]  }
0x3: {  	s1 =	rddreg [dreg:$0x2];
	s2 =	simm.s32 $0x0;
	s22 =	srdreg.scid  }
0x4: {  	s5 =	stileid.u32;
	[smem:$0x7FF] =	sst s2;
	s3 =	sadd.s32 $0x600, s0  }
0x5: {  	s23 =	sadd.s32 $0x800, s0;
	s2 =	sand.u32 $0x1, s22;
	s24 =	sadd.s32 $0xA00, s0  }
0x6: {  	s5 =	sshll.u32 s5, $0xA;
	_ =	strace $0x80000047;
	[smem:$0x7F4] =	sst s3  }
0x7: {  	[smem:$0x7F5] =	sst s23;
	s25 =	ssub.s32 $0x2, s2;
	s2 =	sshll.u32 s2, $0x9  }
0x8: {  	s0 =	sadd.s32 $0x400, s0;
	[smem:$0x7F6] =	sst s24;
	s2 =	sor.u32 s2, s5  }
0x9: {  	s16 =	simm.s32 $0x13000;
	[smem:$0x7F7] =	sst s0;
	s29 =	sshll.u32 s2, $0x2  }
0xa: {  	s28 =	sshrl.u32 s2, $0x1;
	s1 =	sadd.s32 s1, s2;
	[smem:$0x7F9] =	sst s29  }
0xb: {  	s15 =	simm.s32 $0x13080;
	s30 =	sadd.s32 s6, s28;
	[smem:$0x7FB] =	sst s1  }
0xc: {  	s4 =	sshrl.u32 s25, $0x1;
	s31 =	sor.u32 $0x80000, s29;
	[smem:$0x7F8] =	sst s30  }
0xd: {  	s26 =	ssub.s32 s25, s4;
	s1 =	sadd.s32 $0x100, s1;
	[smem:$0x7FA] =	sst s31  }
0xe: {  	s19 =	simm.s32 $0x13100;
	s0 =	smax.u32 s26, $0x1;
	[smem:$0x7FC] =	sst s1  }
0xf: {  	s18 =	simm.s32 $0x13180;
	s2 =	simm.s32 $0x0;
	[smem:$0x7FD] =	sst s0  }
.LBB2_1:
0x10: {  	s1 =	sld [smem:$0x7F4];
	_ =	sdelay $0x1  }
0x11: {  	[smem:$0x7F3] =	sst s2;
	s0 =	simm.s32 $0x0;
	s25 =	simm.s32 $0x5  }
0x12: {  	[tilespmem:s16], [sflag:$0x5] =	stream.linear.gather [hbm4b:s1+s0], $0x80, $0x38;
	[tilespmem:$0x13200] =	vst v63  }
0x13: {  	_ =	swait.ge [sflag:s25], $0x80  }
0x14: {  	s26 =	sld [smem:$0x7F5]  }
0x15: {  	[sflag:s25] =	ssyncset.done $0x0  }
0x16: {  	[sflag:s25] =	ssyncadd.s32 $0xFFFFFF80  }
0x17: {  	[tilespmem:s15], [sflag:$0x5] =	stream.linear.gather [hbm4b:s26+s0], $0x80, $0x38;
	[tilespmem:$0x13200] =	vst v63  }
0x18: {  	_ =	swait.ge [sflag:s25], $0x80  }
0x19: {  	s28 =	sld [smem:$0x7F6]  }
0x1a: {  	[sflag:s25] =	ssyncset.done $0x0  }
0x1b: {  	[sflag:s25] =	ssyncadd.s32 $0xFFFFFF80  }
0x1c: {  	[tilespmem:s19], [sflag:$0x5] =	stream.linear.gather [hbm4b:s28+s0], $0x80, $0x38;
	[tilespmem:$0x13200] =	vst v63  }
0x1d: {  	_ =	swait.ge [sflag:s25], $0x80  }
0x1e: {  	s29 =	sld [smem:$0x7F7]  }
0x1f: {  	[sflag:s25] =	ssyncset.done $0x0  }
0x20: {  	[sflag:s25] =	ssyncadd.s32 $0xFFFFFF80  }
0x21: {  	[tilespmem:s18], [sflag:$0x5] =	stream.linear.gather [hbm4b:s29+s0], $0x80, $0x38;
	[tilespmem:$0x13200] =	vst v63  }
0x22: {  	_ =	swait.ge [sflag:s25], $0x80  }
0x23: {  	s30 =	sld [smem:$0x7F8]  }
0x24: {  	s31 =	simm.s32 $0x400;
	[sflag:s25] =	ssyncset.done $0x0  }
0x25: {  	s3 =	simm.s32 $0x10000;
	s4 =	simm.s32 $0x0;
	[sflag:s25] =	ssyncadd.s32 $0xFFFFFF80  }
0x26: {  	[tilespmem:s0], [sflag:$0x1] =	stream.strided.gather [hbm4b:s30+s31], $0x2000, s3, s31, $0x38;
	[tilespmem:$0x13200] =	vst v63  }
.LBB2_2:
0x27: {  	s0 =	sld [smem:$0x7F9];
	_ =	sdelay $0x1  }
0x28: {  	s1 =	sshll.u32 s4, $0x13  }
0x29: {  	s0 =	sor.u32 s1, s0  }
0x2a: {  	s29 =	rddreg [dreg:$0x0];
	s30 =	simm.s32 $0x400;
	s0 =	sshrl.u32 s0, $0x3  }
0x2b: {  	s2 =	simm.s32 $0x10000;
	s3 =	simm.s32 $0x2000;
	s0 =	sadd.s32 s0, s29  }
0x2c: {  	s31 =	simm.s32 $0x1;
	[smem:$0x7F1] =	sst s1;
	s0 =	sadd.s32 $0x80, s0  }
0x2d: {  	[tilespmem:s3], [sflag:$0x2] =	stream.strided.gather [hbm4b:s0+s30], $0x2000, s2, s30, $0x38;
	[tilespmem:$0x13200] =	vst v63  }
0x2e: {  	_ =	swait.ge [sflag:s31], $0x2000  }
0x2f: {  	p0 =	seq.s32 s4, $0x0;
	[sflag:s31] =	ssyncset.done $0x0  }
0x30: {  	s0 =	simm.s32 @!p0 $0x3;
	[smem:$0x7F2] =	sst s4;
	[sflag:s31] =	ssyncadd.s32 $0xFFFFE000  }
0x31: {  	_ =	swait.ge @!p0 [sflag:s0], $0x7800  }
0x32: {  	[sflag:s0] =	ssyncset.done @!p0 $0x0  }
0x33: {  	s1 =	simm.s32 $0x0;
	[sflag:s0] =	ssyncadd.s32 @!p0 $0xFFFF8800  }
.LBB2_3:
0x34: {  	s0 =	sshll.u32 s1, $0xA  }
0x35: {  	[smem:$0x7F0] =	sst s1;
	s23 =	sshll.u32 s1, $0x7;
	s0 =	sand.u32 $0x3FFFFC00, s0  }
0x36: {  	s24 =	sadd.s32 $0x4000, s23;
	[dreg:$0x4] =	wrdreg s0  }
0x37: {  	s25 =	sadd.s32 $0x4800, s23;
	[dreg:$0x5] =	wrdreg s24  }
0x38: {  	s26 =	sadd.s32 $0x5000, s23;
	[dreg:$0x6] =	wrdreg s25  }
0x39: {  	s31 =	sadd.s32 $0x5800, s23;
	[dreg:$0x7] =	wrdreg s26  }
0x3a: {  	s2 =	sadd.s32 $0x6000, s23;
	[dreg:$0x8] =	wrdreg s31  }
0x3b: {  	s3 =	sadd.s32 $0x6800, s23;
	[dreg:$0x9] =	wrdreg s2  }
0x3c: {  	s4 =	sadd.s32 $0x7000, s23;
	[dreg:$0xa] =	wrdreg s3  }
0x3d: {  	s5 =	sadd.s32 $0x7800, s23;
	[dreg:$0xb] =	wrdreg s4  }
0x3e: {  	s6 =	sadd.s32 $0x8000, s23;
	[dreg:$0xc] =	wrdreg s5  }
0x3f: {  	s7 =	sadd.s32 $0x8800, s23;
	[dreg:$0xd] =	wrdreg s6  }
0x40: {  	s8 =	sadd.s32 $0x9000, s23;
	[dreg:$0xe] =	wrdreg s7  }
0x41: {  	s9 =	sadd.s32 $0x9800, s23;
	[dreg:$0xf] =	wrdreg s8  }
0x42: {  	s10 =	sadd.s32 $0xA000, s23;
	[dreg:$0x10] =	wrdreg s9  }
0x43: {  	s1 =	sadd.s32 $0xB000, s23;
	[dreg:$0x11] =	wrdreg s10  }
0x44: {  	s2 =	sadd.s32 $0xA800, s23;
	s7 =	simm.s32 $0x0;
	s3 =	simm.s32 $0x0  }
0x45: {  	s11 =	rddreg [dreg:$0x4];
	s6 =	sand.u32 $0x60, s7;
	s12 =	sand.u32 $0x3FFFFE00, s3  }
0x46: {  	[dreg:$0x13] =	wrdreg s1;
	s0 =	sadd.s32 s12, s11;
	s5 =	sor.u32 $0x10, s6  }
0x47: {  	[dreg:$0x12] =	wrdreg s2;
	s13 =	sadd.s32 s5, s0  }
0x48: {  	v0 =	vld [tilespmem:s13+$0x80]  }
0x49: {  	v1 =	vld [tilespmem:s13+$0x0];
	_ =	sdelay $0x3  }
0x4a: {  	v2 =	vld [tilespmem:s13+$0x100]  }
0x4b: {  	v3 =	vld [tilespmem:s13+$0x180];
	vm0 =	vgt.s32 v1, $0x0;
	vm1 =	vgt.s32 v0, $0x0  }
0x4c: {  	v1 =	vnsel vm0, $0x0, v1;
	v0 =	vnsel vm1, $0x0, v0  }
0x4d: {  	v1 =	vmin.u32 v1, $0xA;
	v0 =	vmin.u32 v0, $0x11  }
0x4e: {  	s0 =	sadd.s32 s6, s0;
	v1 =	vmul.u32 $0x3, v1;
	v0 =	vshll.u32 v0, $0x2  }
0x4f: {  	v6 =	vld [tilespmem:s0+$0x0];
	vm10 =	vgt.s32 v2, $0x0  }
0x50: {  	v7 =	vld [tilespmem:s0+$0x100];
	vm11 =	vgt.s32 v3, $0x0;
	v2 =	vnsel vm10, $0x0, v2;
	v4 =	vor.u32 $0x1, v0  }
0x51: {  	s14 =	rddreg [dreg:$0x5];
	v9 =	vld [tilespmem:s0+$0x180];
	v3 =	vnsel vm11, $0x0, v3;
	v2 =	vmin.u32 v2, $0x17;
	v5 =	vor.u32 $0x2, v0  }
0x52: {  	s24 =	rddreg [dreg:$0x6];
	v11 =	vld [tilespmem:s0+$0x80];
	v3 =	vmin.u32 v3, $0x6;
	v2 =	vmul.u32 $0x3, v2;
	v10 =	vor.u32 $0x3, v0  }
0x53: {  	s3 =	rddreg [dreg:$0x7];
	v12 =	vmul.u32 $0x5, v3;
	v0 =	vld.idx.msk [tilespmem:v0+s15+$0x0], $0xffff  }
0x54: {  	s21 =	rddreg [dreg:$0x8];
	v8 =	vld.idx.msk [tilespmem:v1+s16+$0x0], $0xffff  }
0x55: {  	s4 =	rddreg [dreg:$0x9];
	v13 =	vadd.s32 $0x1, v1;
	v4 =	vld.idx.msk [tilespmem:v4+s15+$0x0], $0xffff  }
0x56: {  	s8 =	rddreg [dreg:$0xa];
	v14 =	vadd.s32 $0x4, v12;
	v3 =	vld.idx.msk [tilespmem:v5+s15+$0x0], $0xffff  }
0x57: {  	s10 =	rddreg [dreg:$0xb];
	v16 =	vadd.s32 $0x2, v1;
	v5 =	vld.idx.msk [tilespmem:v10+s15+$0x0], $0xffff  }
0x58: {  	s23 =	rddreg [dreg:$0xe];
	vm12 =	vgt.s32 v6, $0x0;
	v17 =	vadd.s32 $0x1, v2;
	v1 =	vld.idx.msk [tilespmem:v2+s19+$0x0], $0xffff  }
0x59: {  	s17 =	rddreg [dreg:$0xf];
	v6 =	vnsel vm12, $0x0, v6;
	v18 =	vadd.s32 $0x2, v2;
	v2 =	vld.idx.msk [tilespmem:v12+s18+$0x0], $0xffff  }
0x5a: {  	s22 =	simm.s32 $0x13180;
	s9 =	rddreg [dreg:$0x13];
	vm13 =	vgt.s32 v7, $0x0;
	v6 =	vmin.u32 v6, $0xA;
	v21 =	vadd.s32 $0x2, v12;
	v15 =	vld.idx.msk [tilespmem:v13+s16+$0x0], $0xffff  }
0x5b: {  	s20 =	rddreg [dreg:$0x11];
	v7 =	vnsel vm13, $0x0, v7;
	v10 =	vmul.u32 $0x3, v6;
	v13 =	vadd.s32 $0x1, v12;
	v14 =	vld.idx.msk [tilespmem:v14+s22+$0x0], $0xffff  }
0x5c: {  	s31 =	simm.s32 $0x13100;
	s11 =	rddreg [dreg:$0xc];
	s12 =	simm.s32 $0x0;
	v6 =	vmin.u32 v7, $0x17;
	v23 =	vld.idx.msk [tilespmem:v16+s16+$0x0], $0xffff;
	v12 =	vadd.s32 $0x3, v12  }
0x5d: {  	s1 =	simm.s32 $0x13000;
	s30 =	rddreg [dreg:$0x12];
	s25 =	sand.u32 $0xFFFFFC00, s12;
	v6 =	vmul.u32 $0x3, v6;
	v19 =	vld.idx.msk [tilespmem:v17+s19+$0x0], $0xffff;
	v16 =	vadd.s32 $0x1, v10  }
0x5e: {  	s13 =	rddreg [dreg:$0xd];
	s26 =	sadd.s32 s25, s14;
	s14 =	sadd.s32 s25, s24;
	vm14 =	vgt.s32 v9, $0x0;
	v18 =	vld.idx.msk [tilespmem:v18+s19+$0x0], $0xffff;
	v17 =	vadd.s32 $0x2, v10  }
0x5f: {  	s21 =	sadd.s32 s25, s21;
	s4 =	sadd.s32 s25, s4;
	s12 =	sadd.s32 s25, s11;
	v7 =	vnsel vm14, $0x0, v9;
	v21 =	vld.idx.msk [tilespmem:v21+s22+$0x0], $0xffff;
	v22 =	vadd.s32 $0x1, v6  }
0x60: {  	s23 =	sadd.s32 s25, s23;
	s28 =	sadd.s32 s25, s20;
	s24 =	sadd.s32 s25, s13;
	vm15 =	vgt.s32 v11, $0x0;
	v7 =	vmin.u32 v7, $0x6;
	v29 =	vadd.s32 $0x2, v6;
	v20 =	vld.idx.msk [tilespmem:v13+s22+$0x0], $0xffff  }
0x61: {  	s13 =	sadd.s32 s6, s26;
	s29 =	sadd.s32 s6, s14;
	s18 =	rddreg [dreg:$0x10];
	v9 =	vnsel vm15, $0x0, v11;
	v7 =	vmul.u32 $0x5, v7;
	v24 =	vld.idx.msk [tilespmem:v12+s22+$0x0], $0xffff  }
0x62: {  	s19 =	sadd.s32 s25, s9;
	s16 =	sadd.s32 s25, s3;
	s9 =	sadd.s32 s25, s8;
	v9 =	vmin.u32 v9, $0x11;
	v11 =	vld.idx.msk [tilespmem:v16+s1+$0x0], $0xffff  }
0x63: {  	s8 =	sadd.s32 s25, s10;
	s3 =	sadd.s32 s25, s30;
	s10 =	sadd.s32 s6, s21;
	v9 =	vshll.u32 v9, $0x2;
	v28 =	vadd.s32 $0x1, v7;
	v12 =	vld.idx.msk [tilespmem:v17+s1+$0x0], $0xffff  }
0x64: {  	s30 =	sadd.s32 s6, s4;
	s2 =	sadd.s32 s5, s19;
	s20 =	sadd.s32 s6, s16;
	v27 =	vadd.s32 $0x2, v7;
	v26 =	vadd.s32 $0x3, v7;
	v25 =	vadd.s32 $0x4, v7;
	v13 =	vld.idx.msk [tilespmem:v22+s31+$0x0], $0xffff  }
0x65: {  	s22 =	sadd.s32 s25, s18;
	s18 =	simm.s32 $0x13180;
	[tilespmem:s2+$0x0] =	vst v14;
	s1 =	sadd.s32 s25, s17;
	v17 =	vor.u32 $0x2, v9;
	v16 =	vor.u32 $0x3, v9;
	v22 =	vor.u32 $0x1, v9;
	v14 =	vld.idx.msk [tilespmem:v29+s31+$0x0], $0xffff  }
.LBB2_4:
0x66: {  	_ =	sdelay $0x1  }
0x67: {  	[smem:$0x7EE] =	sst s10;
	s7 =	sadd.s32 $0x20, s7  }
0x68: {  	s0 =	rddreg [dreg:$0x4];
	v29 =	vld.idx.msk [tilespmem:v28+s18+$0x0], $0xffff;
	s2 =	sadd.s32 s6, s9;
	s25 =	sadd.s32 s6, s8  }
0x69: {  	v28 =	vld.idx.msk [tilespmem:v27+s18+$0x0], $0xffff;
	s31 =	sadd.s32 s6, s12;
	s10 =	simm.s32 $0x13000;
	s17 =	sshll.u32 s7, $0x2  }
0x6a: {  	v27 =	vld.idx.msk [tilespmem:v26+s18+$0x0], $0xffff;
	[smem:$0x7EC] =	sst s31;
	s31 =	sand.u32 $0x60, s7;
	s15 =	sand.u32 $0x3FFFFE00, s17  }
0x6b: {  	v26 =	vld.idx.msk [tilespmem:v25+s18+$0x0], $0xffff;
	[smem:$0x7EA] =	sst s2;
	s2 =	sor.u32 $0x10, s31;
	s0 =	sadd.s32 s15, s0  }
0x6c: {  	[smem:$0x7EB] =	sst s25;
	v25 =	vld.idx.msk [tilespmem:v10+s10+$0x0], $0xffff;
	s25 =	sadd.s32 s2, s0  }
0x6d: {  	s18 =	sadd.s32 s6, s23;
	s19 =	sadd.s32 s6, s19;
	s14 =	sadd.s32 s5, s14;
	v10 =	vld [tilespmem:s25+$0x80]  }
0x6e: {  	s16 =	sadd.s32 s5, s16;
	s15 =	sadd.s32 s6, s1;
	s11 =	sadd.s32 s31, s0;
	v30 =	vld [tilespmem:s25+$0x0]  }
0x6f: {  	s10 =	sadd.s32 s6, s3;
	s17 =	sadd.s32 s6, s24;
	[smem:$0x7ED] =	sst s15;
	v31 =	vld [tilespmem:s11+$0x0];
	[tilespmem:s14+$0x0] =	vst v15  }
0x70: {  	s15 =	sadd.s32 s6, s22;
	s0 =	sadd.s32 s6, s28;
	s6 =	sadd.s32 s5, s26;
	v15 =	vld [tilespmem:s11+$0x100];
	[tilespmem:s16+$0x0] =	vst v23  }
0x71: {  	s21 =	sadd.s32 s5, s21;
	v23 =	vld [tilespmem:s11+$0x180];
	[tilespmem:s6+$0x0] =	vst v8;
	s16 =	sadd.s32 s5, s24  }
0x72: {  	[smem:$0x7EF] =	sst s21;
	s21 =	sadd.s32 s5, s23;
	v8 =	vld [tilespmem:s25+$0x100];
	[tilespmem:s16+$0x0] =	vst v19  }
0x73: {  	s22 =	sadd.s32 s5, s22;
	v19 =	vld [tilespmem:s25+$0x180];
	[tilespmem:s21+$0x0] =	vst v18  }
0x74: {  	s23 =	sadd.s32 s5, s28;
	[smem:$0x7E9] =	sst s10;
	v18 =	vld [tilespmem:s11+$0x80];
	[tilespmem:s22+$0x0] =	vst v20;
	s25 =	simm.s32 $0x13080  }
0x75: {  	s26 =	sadd.s32 s5, s9;
	s9 =	rddreg [dreg:$0x7];
	s24 =	sadd.s32 s5, s3;
	[tilespmem:s23+$0x0] =	vst v21;
	v22 =	vld.idx.msk [tilespmem:v22+s25+$0x0], $0xffff  }
0x76: {  	s4 =	sadd.s32 s5, s4;
	s1 =	sadd.s32 s5, s1;
	s3 =	rddreg [dreg:$0x5];
	[tilespmem:s24+$0x0] =	vst v24;
	v21 =	vld.idx.msk [tilespmem:v17+s25+$0x0], $0xffff;
	vm0 =	vgt.s32 v30, $0x0;
	vm1 =	vgt.s32 v10, $0x0  }
0x77: {  	s14 =	sadd.s32 s5, s8;
	s8 =	sadd.s32 s5, s12;
	s12 =	rddreg [dreg:$0x8];
	[tilespmem:s4+$0x0] =	vst v4;
	v24 =	vld.idx.msk [tilespmem:v16+s25+$0x0], $0xffff;
	v30 =	vnsel vm0, $0x0, v30;
	v10 =	vnsel vm1, $0x0, v10  }
0x78: {  	s5 =	smov.u32 s2;
	s2 =	rddreg [dreg:$0xf];
	[tilespmem:s26+$0x0] =	vst v3;
	s26 =	simm.s32 $0x13180;
	v33 =	vld.idx.msk [tilespmem:v9+s25+$0x0], $0xffff;
	vm2 =	vgt.s32 v31, $0x0;
	v20 =	vmin.u32 v30, $0xA;
	v10 =	vmin.u32 v10, $0x11  }
0x79: {  	s10 =	simm.s32 $0x13100;
	s4 =	rddreg [dreg:$0x6];
	[tilespmem:s14+$0x0] =	vst v5;
	v17 =	vnsel vm2, $0x0, v31;
	v31 =	vld.idx.msk [tilespmem:v7+s26+$0x0], $0xffff;
	v20 =	vmul.u32 $0x3, v20;
	v10 =	vshll.u32 v10, $0x2  }
0x7a: {  	s22 =	rddreg [dreg:$0xa];
	vm13 =	vgt.s32 v8, $0x0;
	v30 =	vld.idx.msk [tilespmem:v6+s10+$0x0], $0xffff;
	[tilespmem:s29+$0x0] =	vst v11  }
0x7b: {  	s11 =	sld [smem:$0x7E9];
	v4 =	vnsel vm13, $0x0, v8;
	vm14 =	vgt.s32 v19, $0x0;
	[tilespmem:s20+$0x0] =	vst v12;
	v16 =	vor.u32 $0x1, v10  }
0x7c: {  	s24 =	rddreg [dreg:$0x13];
	[tilespmem:s17+$0x0] =	vst v13;
	v3 =	vmin.u32 v4, $0x17;
	v4 =	vnsel vm14, $0x0, v19;
	v19 =	vor.u32 $0x2, v10  }
0x7d: {  	s20 =	rddreg [dreg:$0x9];
	[tilespmem:s18+$0x0] =	vst v14;
	v32 =	vmul.u32 $0x3, v3;
	v5 =	vor.u32 $0x3, v10  }
0x7e: {  	s6 =	smov.u32 s31;
	s31 =	simm.s32 $0x13000;
	vm12 =	vgt.s32 v23, $0x0;
	s18 =	rddreg [dreg:$0xb];
	[tilespmem:s15+$0x0] =	vst v29;
	v3 =	vmin.u32 v4, $0x6;
	v34 =	vld.idx.msk [tilespmem:v10+s25+$0x0], $0xffff  }
0x7f: {  	s15 =	rddreg [dreg:$0xc];
	[tilespmem:s0+$0x0] =	vst v28;
	v4 =	vnsel vm12, $0x0, v23;
	v11 =	vmul.u32 $0x5, v3;
	v12 =	vadd.s32 $0x1, v20;
	v8 =	vld.idx.msk [tilespmem:v20+s31+$0x0], $0xffff  }
0x80: {  	vm15 =	vgt.s32 v18, $0x0;
	s17 =	rddreg [dreg:$0xd];
	[tilespmem:s11+$0x0] =	vst v27;
	v3 =	vmin.u32 v17, $0xA;
	v7 =	vmin.u32 v4, $0x6;
	v4 =	vld.idx.msk [tilespmem:v16+s25+$0x0], $0xffff  }
0x81: {  	s0 =	rddreg [dreg:$0xe];
	[tilespmem:s19+$0x0] =	vst v26;
	s19 =	sshll.u32 s7, $0x3;
	v9 =	vnsel vm15, $0x0, v18;
	v18 =	vadd.s32 $0x1, v32;
	v10 =	vmul.u32 $0x3, v3;
	v3 =	vld.idx.msk [tilespmem:v19+s25+$0x0], $0xffff  }
0x82: {  	vm11 =	vgt.s32 v15, $0x0;
	s11 =	rddreg [dreg:$0x10];
	[tilespmem:s30+$0x0] =	vst v22;
	s30 =	sand.u32 $0xFFFFFC00, s19;
	v16 =	vadd.s32 $0x2, v20;
	v5 =	vld.idx.msk [tilespmem:v5+s25+$0x0], $0xffff  }
0x83: {  	v15 =	vnsel vm11, $0x0, v15;
	s14 =	sadd.s32 s30, s4;
	s4 =	sld [smem:$0x7ED];
	v13 =	vadd.s32 $0x4, v11;
	v35 =	vld.idx.msk [tilespmem:v32+s10+$0x0], $0xffff  }
0x84: {  	s16 =	simm.s32 $0x13180;
	v6 =	vmin.u32 v15, $0x17;
	v20 =	vadd.s32 $0x2, v32;
	s25 =	rddreg [dreg:$0x11];
	v15 =	vld.idx.msk [tilespmem:v12+s31+$0x0], $0xffff  }
0x85: {  	p1 =	slt.u32 s7, $0xE0;
	s21 =	simm.s32 $0x13000;
	v12 =	vadd.s32 $0x1, v11;
	s31 =	rddreg [dreg:$0x12];
	v63 =	vld.idx.msk [tilespmem:v11+s16+$0x0], $0xffff  }
0x86: {  	s23 =	simm.s32 $0x13180;
	s26 =	sadd.s32 s30, s3;
	v38 =	vadd.s32 $0x2, v11;
	s16 =	sld [smem:$0x7EA];
	v19 =	vld.idx.msk [tilespmem:v18+s10+$0x0], $0xffff  }
0x87: {  	[tilespmem:s13+$0x0] =	vst v25;
	s19 =	sadd.s32 s30, s24;
	s24 =	simm.s32 $0x13180;
	v29 =	vadd.s32 $0x2, v10;
	v23 =	vld.idx.msk [tilespmem:v16+s21+$0x0], $0xffff;
	s21 =	sld [smem:$0x7EB]  }
0x88: {  	v6 =	vmul.u32 $0x3, v6;
	s13 =	sadd.s32 s5, s19;
	s29 =	sadd.s32 s6, s14;
	[tilespmem:s4+$0x0] =	vst v31;
	v11 =	vadd.s32 $0x3, v11;
	v13 =	vld.idx.msk [tilespmem:v13+s23+$0x0], $0xffff;
	s23 =	sld [smem:$0x7EC]  }
0x89: {  	s4 =	sadd.s32 s30, s20;
	v14 =	vadd.s32 $0x1, v10;
	s28 =	sadd.s32 s30, s25;
	s25 =	sld [smem:$0x7EE];
	[tilespmem:s16+$0x0] =	vst v21;
	v18 =	vld.idx.msk [tilespmem:v20+s10+$0x0], $0xffff  }
0x8a: {  	v36 =	vadd.s32 $0x1, v6;
	s3 =	sadd.s32 s30, s31;
	v20 =	vld.idx.msk [tilespmem:v12+s24+$0x0], $0xffff;
	[tilespmem:s21+$0x0] =	vst v24;
	s21 =	sadd.s32 s30, s12;
	s12 =	simm.s32 $0x13180  }
0x8b: {  	v37 =	vadd.s32 $0x2, v6;
	s16 =	sadd.s32 s30, s9;
	s9 =	sadd.s32 s30, s22;
	s22 =	simm.s32 $0x13000;
	[tilespmem:s23+$0x0] =	vst v30;
	v21 =	vld.idx.msk [tilespmem:v38+s12+$0x0], $0xffff  }
.Ltmp0:
0x8c: {  	v9 =	vmin.u32 v9, $0x11;
	[tilespmem:s8+$0x0] =	vst v1;
	s8 =	sadd.s32 s30, s18;
	s18 =	simm.s32 $0x13180;
	v12 =	vld.idx.msk [tilespmem:v29+s22+$0x0], $0xffff;
	(pc) =	sbr.rel @p1 .LBB2_4-.Ltmp0, $4  }
0x8d: {  	v9 =	vshll.u32 v9, $0x2;
	v7 =	vmul.u32 $0x5, v7;
	s31 =	sld [smem:$0x7EF];
	s24 =	sadd.s32 s30, s17;
	s23 =	sadd.s32 s30, s0;
	v24 =	vld.idx.msk [tilespmem:v11+s18+$0x0], $0xffff;
	[tilespmem:s13+$0x0] =	vst v13  }
0x8e: {  	v22 =	vor.u32 $0x1, v9;
	v17 =	vor.u32 $0x2, v9;
	s20 =	sadd.s32 s6, s16;
	s12 =	sadd.s32 s30, s15;
	s15 =	simm.s32 $0x13000;
	v11 =	vld.idx.msk [tilespmem:v14+s22+$0x0], $0xffff;
	[tilespmem:s25+$0x0] =	vst v33  }
0x8f: {  	v28 =	vadd.s32 $0x1, v7;
	v27 =	vadd.s32 $0x2, v7;
	v26 =	vadd.s32 $0x3, v7;
	[tilespmem:s1+$0x0] =	vst v2;
	s1 =	sadd.s32 s30, s2;
	s22 =	sadd.s32 s30, s11;
	s13 =	sadd.s32 s6, s26;
	v13 =	vld.idx.msk [tilespmem:v36+s10+$0x0], $0xffff  }
0x90: {  	v25 =	vadd.s32 $0x4, v7;
	v16 =	vor.u32 $0x3, v9;
	v1 =	vmovc v35;
	v2 =	vmovc v63;
	[tilespmem:s31+$0x0] =	vst v0;
	v0 =	vmov v34;
	s2 =	simm.s32 $0x13100;
	s30 =	sadd.s32 s6, s4;
	v14 =	vld.idx.msk [tilespmem:v37+s10+$0x0], $0xffff;
	s10 =	sadd.s32 s6, s21  }
0x91: {  	_ =	sdelay $0x3  }
0x92: {  	v57 =	vld.idx.msk [tilespmem:v28+s18+$0x0], $0xffff  }
0x93: {  	v58 =	vld.idx.msk [tilespmem:v27+s18+$0x0], $0xffff  }
0x94: {  	v26 =	vld.idx.msk [tilespmem:v26+s18+$0x0], $0xffff  }
0x95: {  	v59 =	vld.idx.msk [tilespmem:v25+s18+$0x0], $0xffff  }
0x96: {  	s0 =	sadd.s32 s5, s14;
	v10 =	vld.idx.msk [tilespmem:v10+s15+$0x0], $0xffff  }
0x97: {  	s7 =	sadd.s32 s5, s16;
	v61 =	vld.idx.msk [tilespmem:v6+s2+$0x0], $0xffff;
	[tilespmem:s0+$0x0] =	vst v15  }
0x98: {  	v62 =	vld.idx.msk [tilespmem:v7+s18+$0x0], $0xffff;
	[tilespmem:s7+$0x0] =	vst v23;
	s7 =	simm.s32 $0x13080  }
0x99: {  	v60 =	vld.idx.msk [tilespmem:v22+s7+$0x0], $0xffff  }
0x9a: {  	s11 =	sadd.s32 s5, s26;
	v17 =	vld.idx.msk [tilespmem:v17+s7+$0x0], $0xffff  }
0x9b: {  	[tilespmem:s11+$0x0] =	vst v8;
	v16 =	vld.idx.msk [tilespmem:v16+s7+$0x0], $0xffff  }
0x9c: {  	s14 =	sadd.s32 s5, s24;
	v63 =	vld.idx.msk [tilespmem:v9+s7+$0x0], $0xffff;
	[tilespmem:s29+$0x0] =	vst v11  }
0x9d: {  	[tilespmem:s14+$0x0] =	vst v19  }
0x9e: {  	s16 =	sadd.s32 s5, s23;
	[tilespmem:s20+$0x0] =	vst v12  }
0x9f: {  	s14 =	sadd.s32 s6, s24;
	[tilespmem:s16+$0x0] =	vst v18  }
0xa0: {  	s17 =	sadd.s32 s5, s22;
	[tilespmem:s14+$0x0] =	vst v13  }
0xa1: {  	s15 =	sadd.s32 s6, s23;
	[tilespmem:s17+$0x0] =	vst v20  }
0xa2: {  	s25 =	sadd.s32 s5, s28;
	[tilespmem:s15+$0x0] =	vst v14  }
0xa3: {  	s16 =	sadd.s32 s6, s22;
	[tilespmem:s25+$0x0] =	vst v21  }
0xa4: {  	s26 =	sadd.s32 s5, s3;
	[tilespmem:s16+$0x0] =	vst v57  }
0xa5: {  	s17 =	sadd.s32 s6, s28;
	[tilespmem:s26+$0x0] =	vst v24  }
0xa6: {  	s31 =	sadd.s32 s5, s4;
	[tilespmem:s17+$0x0] =	vst v58  }
0xa7: {  	s20 =	sadd.s32 s6, s3;
	[tilespmem:s31+$0x0] =	vst v4  }
0xa8: {  	s4 =	sadd.s32 s5, s9;
	[tilespmem:s20+$0x0] =	vst v26  }
0xa9: {  	s22 =	sadd.s32 s6, s19;
	[tilespmem:s4+$0x0] =	vst v3  }
0xaa: {  	s11 =	sadd.s32 s5, s8;
	[tilespmem:s22+$0x0] =	vst v59  }
0xab: {  	[tilespmem:s11+$0x0] =	vst v5  }
0xac: {  	[tilespmem:s13+$0x0] =	vst v10  }
0xad: {  	s28 =	sadd.s32 s5, s12;
	[tilespmem:s30+$0x0] =	vst v60  }
0xae: {  	s23 =	sadd.s32 s6, s9;
	[tilespmem:s28+$0x0] =	vst v1  }
0xaf: {  	s29 =	sadd.s32 s5, s1;
	[tilespmem:s23+$0x0] =	vst v17  }
0xb0: {  	s24 =	sadd.s32 s6, s8;
	[tilespmem:s29+$0x0] =	vst v2  }
0xb1: {  	s25 =	sadd.s32 s6, s12;
	[tilespmem:s24+$0x0] =	vst v16  }
0xb2: {  	s26 =	sadd.s32 s6, s1;
	[tilespmem:s25+$0x0] =	vst v61  }
0xb3: {  	[tilespmem:s26+$0x0] =	vst v62  }
0xb4: {  	s30 =	sld [smem:$0x7F0];
	_ =	sdelay $0x2  }
0xb5: {  	s1 =	sadd.s32 $0x1, s30  }
0xb6: {  	p1 =	sne.s32 s1, $0x8  }
.Ltmp1:
0xb7: {  	_ = 	snop;
	(pc) =	sbr.rel @p1 .LBB2_3-.Ltmp1, $3  }
0xb8: {  	_ =	sdelay $0x1  }
0xb9: {  	s31 =	sadd.s32 s5, s21;
	[tilespmem:s10+$0x0] =	vst v63  }
0xba: {  	s19 =	simm.s32 $0x13100;
	s15 =	simm.s32 $0x13080;
	s16 =	simm.s32 $0x13000;
	[tilespmem:s31+$0x0] =	vst v0  }
0xbb: {  	s4 =	sld [smem:$0x7F2];
	_ =	sdelay $0x2  }
0xbc: {  	p1 =	sne.s32 s4, $0x18  }
.Ltmp2:
0xbd: {  	s0 =	sld [smem:$0x7FB];
	(pc) =	sbr.rel @p1 .LBB2_8-.Ltmp2, $4  }
0xbe: {  	_ = 	snop  }
0xbf: {  	s31 =	simm.s32 $0x800;
	s2 =	simm.s32 $0x320000;
	s1 =	sshll.u32 s4, $0xE  }
0xc0: {  	s3 =	simm.s32 $0x4000;
	[smem:$0x7E8] =	sst s1;
	s0 =	sadd.s32 s1, s0  }
0xc1: {  	[hbm4b:s0+s31] =	stream.strided.scatter [tilespmem:s3], [sflag:$0x3], $0x7800, s2, s31, $0x38;
	[tilespmem:$0x13200] =	vst v63  }
.Ltmp3:
0xc2: {  	(pc) =	sbr.rel .LBB2_9-.Ltmp3, $4  }
0xc3: {  	s0 =	simm.s32 $0x2  }
0xc4: {  	_ =	swait.ge [sflag:s0], $0x2000  }
0xc5: {  	[sflag:s0] =	ssyncset.done $0x0  }
0xc6: {  	[sflag:s0] =	ssyncadd.s32 $0xFFFFE000  }
.LBB2_8:
0xc7: {  	s0 =	sld [smem:$0x7FA]  }
0xc8: {  	s1 =	sld [smem:$0x7F1];
	_ =	sdelay $0x2  }
0xc9: {  	s29 =	rddreg [dreg:$0x0];
	s30 =	simm.s32 $0x0;
	s0 =	sadd.s32 s0, s1  }
0xca: {  	s2 =	simm.s32 $0x400;
	s3 =	simm.s32 $0x10000;
	s0 =	sshrl.u32 s0, $0x3  }
.Ltmp4:
0xcb: {  	s31 =	simm.s32 $0x2;
	s0 =	sadd.s32 s29, s0;
	(pc) =	sbr.rel @p0 .LBB2_10-.Ltmp4, $4  }
0xcc: {  	[tilespmem:s30], [sflag:$0x1] =	stream.strided.gather [hbm4b:s0+s2], $0x2000, s3, s2, $0x38;
	[tilespmem:$0x13200] =	vst v63  }
0xcd: {  	_ =	swait.ge [sflag:s31], $0x2000  }
0xce: {  	[sflag:s31] =	ssyncset.done $0x0  }
0xcf: {  	[sflag:s31] =	ssyncadd.s32 $0xFFFFE000  }
.LBB2_9:
0xd0: {  	s0 =	simm.s32 $0x4  }
0xd1: {  	_ =	swait.ge [sflag:s0], $0x7800  }
0xd2: {  	[sflag:s0] =	ssyncset.done $0x0  }
0xd3: {  	[sflag:s0] =	ssyncadd.s32 $0xFFFF8800  }
.LBB2_10:
0xd4: {  	s1 =	simm.s32 $0x0  }
.LBB2_11:
0xd5: {  	s26 =	sshll.u32 s1, $0x7  }
0xd6: {  	[smem:$0x7E3] =	sst s1;
	s31 =	sadd.s32 $0xB800, s26  }
0xd7: {  	s2 =	sadd.s32 $0xC000, s26;
	[dreg:$0x15] =	wrdreg s31  }
0xd8: {  	s3 =	sadd.s32 $0xC800, s26;
	[dreg:$0x16] =	wrdreg s2  }
0xd9: {  	s4 =	sadd.s32 $0xD000, s26;
	[dreg:$0x17] =	wrdreg s3  }
0xda: {  	s5 =	sadd.s32 $0xD800, s26;
	[dreg:$0x18] =	wrdreg s4  }
0xdb: {  	s6 =	sadd.s32 $0xE000, s26;
	[dreg:$0x19] =	wrdreg s5  }
0xdc: {  	s7 =	sadd.s32 $0xE800, s26;
	[dreg:$0x1a] =	wrdreg s6  }
0xdd: {  	s8 =	sadd.s32 $0xF000, s26;
	[dreg:$0x1b] =	wrdreg s7  }
0xde: {  	s9 =	sadd.s32 $0xF800, s26;
	[dreg:$0x1c] =	wrdreg s8  }
0xdf: {  	s10 =	sadd.s32 $0x10000, s26;
	[dreg:$0x1d] =	wrdreg s9  }
0xe0: {  	s0 =	sshll.u32 s1, $0xA;
	s11 =	sadd.s32 $0x10800, s26;
	[dreg:$0x1e] =	wrdreg s10  }
0xe1: {  	s0 =	sand.u32 $0x3FFFFC00, s0;
	s12 =	sadd.s32 $0x11000, s26;
	[dreg:$0x1f] =	wrdreg s11  }
0xe2: {  	s13 =	sadd.s32 $0x11800, s26;
	s1 =	sadd.s32 $0x12800, s26;
	[smem:$0x7E4] =	sst s12  }
0xe3: {  	s0 =	sadd.s32 $0x2000, s0;
	[smem:$0x7E6] =	sst s13;
	s2 =	sadd.s32 $0x12000, s26  }
0xe4: {  	s7 =	simm.s32 $0x0;
	s3 =	simm.s32 $0x0;
	[dreg:$0x14] =	wrdreg s0  }
0xe5: {  	s6 =	sand.u32 $0x60, s7;
	s17 =	sand.u32 $0x3FFFFE00, s3;
	s14 =	rddreg [dreg:$0x14]  }
0xe6: {  	[smem:$0x7E5] =	sst s1;
	s5 =	sor.u32 $0x10, s6;
	s0 =	sadd.s32 s17, s14  }
0xe7: {  	[smem:$0x7E7] =	sst s2;
	s20 =	sadd.s32 s5, s0  }
0xe8: {  	v0 =	vld [tilespmem:s20+$0x80]  }
0xe9: {  	v1 =	vld [tilespmem:s20+$0x0];
	_ =	sdelay $0x3  }
0xea: {  	v2 =	vld [tilespmem:s20+$0x100]  }
0xeb: {  	v3 =	vld [tilespmem:s20+$0x180];
	vm0 =	vgt.s32 v1, $0x0;
	vm1 =	vgt.s32 v0, $0x0  }
0xec: {  	v1 =	vnsel vm0, $0x0, v1;
	v0 =	vnsel vm1, $0x0, v0  }
0xed: {  	v1 =	vmin.u32 v1, $0xA;
	v0 =	vmin.u32 v0, $0x11  }
0xee: {  	s0 =	sadd.s32 s6, s0;
	v1 =	vmul.u32 $0x3, v1;
	v0 =	vshll.u32 v0, $0x2  }
0xef: {  	v6 =	vld [tilespmem:s0+$0x0];
	vm10 =	vgt.s32 v2, $0x0  }
0xf0: {  	v7 =	vld [tilespmem:s0+$0x100];
	vm11 =	vgt.s32 v3, $0x0;
	v2 =	vnsel vm10, $0x0, v2;
	v4 =	vor.u32 $0x1, v0  }
0xf1: {  	s21 =	rddreg [dreg:$0x15];
	v9 =	vld [tilespmem:s0+$0x180];
	v3 =	vnsel vm11, $0x0, v3;
	v2 =	vmin.u32 v2, $0x17;
	v5 =	vor.u32 $0x2, v0  }
0xf2: {  	s23 =	rddreg [dreg:$0x16];
	v11 =	vld [tilespmem:s0+$0x80];
	v3 =	vmin.u32 v3, $0x6;
	v2 =	vmul.u32 $0x3, v2;
	v10 =	vor.u32 $0x3, v0  }
0xf3: {  	s24 =	rddreg [dreg:$0x17];
	v12 =	vmul.u32 $0x5, v3;
	v0 =	vld.idx.msk [tilespmem:v0+s15+$0x0], $0xffff  }
0xf4: {  	s31 =	rddreg [dreg:$0x18];
	v8 =	vld.idx.msk [tilespmem:v1+s16+$0x0], $0xffff  }
0xf5: {  	s8 =	rddreg [dreg:$0x19];
	v13 =	vadd.s32 $0x1, v1;
	v4 =	vld.idx.msk [tilespmem:v4+s15+$0x0], $0xffff  }
0xf6: {  	s9 =	rddreg [dreg:$0x1a];
	v14 =	vadd.s32 $0x4, v12;
	v3 =	vld.idx.msk [tilespmem:v5+s15+$0x0], $0xffff  }
0xf7: {  	s10 =	rddreg [dreg:$0x1b];
	v16 =	vadd.s32 $0x2, v1;
	v5 =	vld.idx.msk [tilespmem:v10+s15+$0x0], $0xffff  }
0xf8: {  	s11 =	rddreg [dreg:$0x1c];
	vm12 =	vgt.s32 v6, $0x0;
	v17 =	vadd.s32 $0x1, v2;
	v1 =	vld.idx.msk [tilespmem:v2+s19+$0x0], $0xffff  }
0xf9: {  	s13 =	rddreg [dreg:$0x1d];
	v6 =	vnsel vm12, $0x0, v6;
	v18 =	vadd.s32 $0x2, v2;
	v2 =	vld.idx.msk [tilespmem:v12+s18+$0x0], $0xffff  }
0xfa: {  	s12 =	sld [smem:$0x7E5];
	vm13 =	vgt.s32 v7, $0x0;
	v6 =	vmin.u32 v6, $0xA;
	v21 =	vadd.s32 $0x2, v12;
	v15 =	vld.idx.msk [tilespmem:v13+s16+$0x0], $0xffff  }
0xfb: {  	s22 =	simm.s32 $0x13180;
	s25 =	sld [smem:$0x7E7];
	v7 =	vnsel vm13, $0x0, v7;
	v10 =	vmul.u32 $0x3, v6;
	v13 =	vadd.s32 $0x1, v12;
	v14 =	vld.idx.msk [tilespmem:v14+s18+$0x0], $0xffff  }
0xfc: {  	s30 =	simm.s32 $0x13100;
	s4 =	simm.s32 $0x0;
	s14 =	rddreg [dreg:$0x1e];
	v6 =	vmin.u32 v7, $0x17;
	v23 =	vld.idx.msk [tilespmem:v16+s16+$0x0], $0xffff;
	v12 =	vadd.s32 $0x3, v12  }
0xfd: {  	s2 =	simm.s32 $0x13000;
	s17 =	sld [smem:$0x7E4];
	s20 =	sand.u32 $0xFFFFFC00, s4;
	v6 =	vmul.u32 $0x3, v6;
	v19 =	vld.idx.msk [tilespmem:v17+s19+$0x0], $0xffff;
	v16 =	vadd.s32 $0x1, v10  }
0xfe: {  	s26 =	sadd.s32 s20, s21;
	s4 =	sadd.s32 s20, s23;
	s21 =	sadd.s32 s20, s31;
	vm14 =	vgt.s32 v9, $0x0;
	v18 =	vld.idx.msk [tilespmem:v18+s19+$0x0], $0xffff;
	v17 =	vadd.s32 $0x2, v10  }
0xff: {  	s3 =	sadd.s32 s20, s8;
	s9 =	sadd.s32 s20, s9;
	s8 =	sadd.s32 s20, s10;
	v7 =	vnsel vm14, $0x0, v9;
	v21 =	vld.idx.msk [tilespmem:v21+s22+$0x0], $0xffff;
	v22 =	vadd.s32 $0x1, v6  }
0x100: {  	s23 =	sadd.s32 s20, s14;
	s14 =	sadd.s32 s20, s25;
	vm15 =	vgt.s32 v11, $0x0;
	s15 =	rddreg [dreg:$0x1f];
	v7 =	vmin.u32 v7, $0x6;
	v29 =	vadd.s32 $0x2, v6;
	v20 =	vld.idx.msk [tilespmem:v13+s22+$0x0], $0xffff  }
0x101: {  	s29 =	sadd.s32 s6, s4;
	s10 =	sadd.s32 s6, s21;
	v9 =	vnsel vm15, $0x0, v11;
	s18 =	sld [smem:$0x7E6];
	v7 =	vmul.u32 $0x5, v7;
	v24 =	vld.idx.msk [tilespmem:v12+s22+$0x0], $0xffff  }
0x102: {  	s19 =	sadd.s32 s20, s12;
	s16 =	sadd.s32 s20, s24;
	v9 =	vmin.u32 v9, $0x11;
	s12 =	sadd.s32 s20, s11;
	v11 =	vld.idx.msk [tilespmem:v16+s2+$0x0], $0xffff  }
0x103: {  	s24 =	sadd.s32 s20, s13;
	s1 =	sadd.s32 s20, s15;
	s13 =	sadd.s32 s6, s26;
	v9 =	vshll.u32 v9, $0x2;
	v28 =	vadd.s32 $0x1, v7;
	v12 =	vld.idx.msk [tilespmem:v17+s2+$0x0], $0xffff  }
0x104: {  	s31 =	sadd.s32 s5, s19;
	s28 =	sadd.s32 s20, s18;
	s18 =	simm.s32 $0x13180;
	v27 =	vadd.s32 $0x2, v7;
	v26 =	vadd.s32 $0x3, v7;
	v25 =	vadd.s32 $0x4, v7;
	v13 =	vld.idx.msk [tilespmem:v22+s30+$0x0], $0xffff  }
0x105: {  	s22 =	sadd.s32 s20, s17;
	[tilespmem:s31+$0x0] =	vst v14;
	s20 =	sadd.s32 s6, s16;
	v17 =	vor.u32 $0x2, v9;
	v16 =	vor.u32 $0x3, v9;
	v22 =	vor.u32 $0x1, v9;
	v14 =	vld.idx.msk [tilespmem:v29+s30+$0x0], $0xffff;
	s30 =	sadd.s32 s6, s3  }
.LBB2_12:
0x106: {  	_ =	sdelay $0x2  }
0x107: {  	[smem:$0x7E1] =	sst s10;
	v29 =	vld.idx.msk [tilespmem:v28+s18+$0x0], $0xffff  }
0x108: {  	s7 =	sadd.s32 $0x20, s7;
	s0 =	rddreg [dreg:$0x14];
	s2 =	sadd.s32 s6, s9;
	v28 =	vld.idx.msk [tilespmem:v27+s18+$0x0], $0xffff  }
0x109: {  	s15 =	sadd.s32 s6, s8;
	s17 =	sadd.s32 s6, s12;
	v27 =	vld.idx.msk [tilespmem:v26+s18+$0x0], $0xffff;
	s18 =	sadd.s32 s6, s24  }
0x10a: {  	s25 =	simm.s32 $0x13180;
	s19 =	sadd.s32 s6, s19;
	s11 =	sshll.u32 s7, $0x2  }
0x10b: {  	[smem:$0x7DD] =	sst s2;
	s31 =	sand.u32 $0x60, s7;
	s10 =	sand.u32 $0x3FFFFE00, s11  }
0x10c: {  	v26 =	vld.idx.msk [tilespmem:v25+s25+$0x0], $0xffff;
	s2 =	sor.u32 $0x10, s31;
	s0 =	sadd.s32 s10, s0;
	s10 =	simm.s32 $0x13000  }
0x10d: {  	[smem:$0x7DE] =	sst s15;
	s15 =	sadd.s32 s6, s1;
	s25 =	sadd.s32 s2, s0;
	v25 =	vld.idx.msk [tilespmem:v10+s10+$0x0], $0xffff  }
0x10e: {  	s4 =	sadd.s32 s5, s4;
	[smem:$0x7E0] =	sst s15;
	s15 =	sadd.s32 s6, s14;
	v10 =	vld [tilespmem:s25+$0x80]  }
0x10f: {  	s16 =	sadd.s32 s5, s16;
	[smem:$0x7DC] =	sst s15;
	s15 =	simm.s32 $0x13080;
	v30 =	vld [tilespmem:s25+$0x0]  }
0x110: {  	[smem:$0x7DF] =	sst s17;
	s17 =	sadd.s32 s6, s23;
	s11 =	sadd.s32 s31, s0;
	v22 =	vld.idx.msk [tilespmem:v22+s15+$0x0], $0xffff;
	[tilespmem:s4+$0x0] =	vst v15  }
0x111: {  	s10 =	sadd.s32 s6, s22;
	s0 =	sadd.s32 s6, s28;
	s6 =	sadd.s32 s5, s26;
	v33 =	vld.idx.msk [tilespmem:v9+s15+$0x0], $0xffff;
	[tilespmem:s16+$0x0] =	vst v23  }
0x112: {  	v31 =	vld [tilespmem:s11+$0x0];
	[tilespmem:s6+$0x0] =	vst v8;
	s16 =	sadd.s32 s5, s24  }
0x113: {  	v8 =	vld [tilespmem:s25+$0x100];
	[tilespmem:s16+$0x0] =	vst v19  }
0x114: {  	s26 =	sadd.s32 s5, s21;
	s21 =	sadd.s32 s5, s23;
	v19 =	vld [tilespmem:s25+$0x180];
	vm0 =	vgt.s32 v30, $0x0;
	vm1 =	vgt.s32 v10, $0x0  }
0x115: {  	s3 =	sadd.s32 s5, s3;
	s22 =	sadd.s32 s5, s22;
	[smem:$0x7E2] =	sst s26;
	v15 =	vld [tilespmem:s11+$0x100];
	[tilespmem:s21+$0x0] =	vst v18;
	v30 =	vnsel vm0, $0x0, v30;
	v10 =	vnsel vm1, $0x0, v10  }
0x116: {  	s23 =	sadd.s32 s5, s28;
	s26 =	sadd.s32 s5, s8;
	v23 =	vld [tilespmem:s11+$0x180];
	s4 =	rddreg [dreg:$0x16];
	[tilespmem:s22+$0x0] =	vst v20;
	v20 =	vmin.u32 v30, $0xA;
	v10 =	vmin.u32 v10, $0x11  }
0x117: {  	s8 =	sadd.s32 s5, s12;
	s24 =	sadd.s32 s5, s14;
	s12 =	rddreg [dreg:$0x18];
	v18 =	vld [tilespmem:s11+$0x80];
	[tilespmem:s23+$0x0] =	vst v21;
	vm2 =	vgt.s32 v31, $0x0;
	v20 =	vmul.u32 $0x3, v20;
	v10 =	vshll.u32 v10, $0x2  }
0x118: {  	s9 =	sadd.s32 s5, s9;
	s1 =	sadd.s32 s5, s1;
	s14 =	rddreg [dreg:$0x19];
	v21 =	vld.idx.msk [tilespmem:v17+s15+$0x0], $0xffff;
	[tilespmem:s24+$0x0] =	vst v24;
	v17 =	vnsel vm2, $0x0, v31;
	vm13 =	vgt.s32 v8, $0x0  }
0x119: {  	s5 =	smov.u32 s2;
	s2 =	rddreg [dreg:$0x1f];
	v24 =	vld.idx.msk [tilespmem:v16+s15+$0x0], $0xffff;
	[tilespmem:s3+$0x0] =	vst v4;
	s25 =	simm.s32 $0x13180;
	v4 =	vnsel vm13, $0x0, v8;
	vm14 =	vgt.s32 v19, $0x0;
	v16 =	vor.u32 $0x1, v10  }
0x11a: {  	s6 =	smov.u32 s31;
	s31 =	simm.s32 $0x13100;
	s3 =	rddreg [dreg:$0x15];
	[tilespmem:s9+$0x0] =	vst v3;
	v31 =	vld.idx.msk [tilespmem:v7+s25+$0x0], $0xffff;
	v3 =	vmin.u32 v4, $0x17;
	v4 =	vnsel vm14, $0x0, v19;
	v19 =	vor.u32 $0x2, v10  }
0x11b: {  	[tilespmem:s26+$0x0] =	vst v5;
	s9 =	rddreg [dreg:$0x17];
	v30 =	vld.idx.msk [tilespmem:v6+s31+$0x0], $0xffff;
	v32 =	vmul.u32 $0x3, v3;
	v5 =	vor.u32 $0x3, v10  }
0x11c: {  	s26 =	simm.s32 $0x13000;
	s22 =	rddreg [dreg:$0x1b];
	vm12 =	vgt.s32 v23, $0x0;
	[tilespmem:s29+$0x0] =	vst v11;
	v3 =	vmin.u32 v4, $0x6;
	v34 =	vld.idx.msk [tilespmem:v10+s15+$0x0], $0xffff  }
0x11d: {  	s11 =	sld [smem:$0x7DC];
	[tilespmem:s20+$0x0] =	vst v12;
	v4 =	vnsel vm12, $0x0, v23;
	v11 =	vmul.u32 $0x5, v3;
	v12 =	vadd.s32 $0x1, v20;
	v8 =	vld.idx.msk [tilespmem:v20+s26+$0x0], $0xffff  }
0x11e: {  	s23 =	sld [smem:$0x7E5];
	vm15 =	vgt.s32 v18, $0x0;
	[tilespmem:s18+$0x0] =	vst v13;
	v3 =	vmin.u32 v17, $0xA;
	v7 =	vmin.u32 v4, $0x6;
	v4 =	vld.idx.msk [tilespmem:v16+s15+$0x0], $0xffff  }
0x11f: {  	s24 =	sld [smem:$0x7DD];
	[tilespmem:s17+$0x0] =	vst v14;
	v9 =	vnsel vm15, $0x0, v18;
	v18 =	vadd.s32 $0x1, v32;
	v10 =	vmul.u32 $0x3, v3;
	v3 =	vld.idx.msk [tilespmem:v19+s15+$0x0], $0xffff  }
0x120: {  	vm11 =	vgt.s32 v15, $0x0;
	s18 =	rddreg [dreg:$0x1a];
	[tilespmem:s10+$0x0] =	vst v29;
	v13 =	vadd.s32 $0x4, v11;
	v5 =	vld.idx.msk [tilespmem:v5+s15+$0x0], $0xffff  }
0x121: {  	v15 =	vnsel vm11, $0x0, v15;
	s10 =	rddreg [dreg:$0x1c];
	[tilespmem:s0+$0x0] =	vst v28;
	s20 =	simm.s32 $0x13000;
	v16 =	vadd.s32 $0x2, v20;
	v35 =	vld.idx.msk [tilespmem:v32+s31+$0x0], $0xffff  }
0x122: {  	s16 =	simm.s32 $0x13180;
	v6 =	vmin.u32 v15, $0x17;
	s17 =	rddreg [dreg:$0x1d];
	[tilespmem:s11+$0x0] =	vst v27;
	v20 =	vadd.s32 $0x2, v32;
	v15 =	vld.idx.msk [tilespmem:v12+s20+$0x0], $0xffff  }
0x123: {  	s0 =	rddreg [dreg:$0x1e];
	[tilespmem:s19+$0x0] =	vst v26;
	v12 =	vadd.s32 $0x1, v11;
	v63 =	vld.idx.msk [tilespmem:v11+s16+$0x0], $0xffff  }
0x124: {  	s21 =	simm.s32 $0x13180;
	[tilespmem:s24+$0x0] =	vst v21;
	s24 =	sld [smem:$0x7E0];
	v38 =	vadd.s32 $0x2, v11;
	v19 =	vld.idx.msk [tilespmem:v18+s31+$0x0], $0xffff  }
0x125: {  	p0 =	slt.u32 s7, $0xE0;
	s25 =	sshll.u32 s7, $0x3;
	[tilespmem:s13+$0x0] =	vst v25;
	v29 =	vadd.s32 $0x2, v10;
	v13 =	vld.idx.msk [tilespmem:v13+s21+$0x0], $0xffff;
	s21 =	sld [smem:$0x7DF]  }
0x126: {  	s28 =	simm.s32 $0x13000;
	[tilespmem:s30+$0x0] =	vst v22;
	s25 =	sand.u32 $0xFFFFFC00, s25;
	s26 =	sld [smem:$0x7DE];
	v11 =	vadd.s32 $0x3, v11;
	v23 =	vld.idx.msk [tilespmem:v16+s20+$0x0], $0xffff  }
0x127: {  	s11 =	sld [smem:$0x7E4];
	s19 =	sadd.s32 s25, s23;
	s23 =	simm.s32 $0x13180;
	[tilespmem:s24+$0x0] =	vst v31;
	v14 =	vadd.s32 $0x1, v10;
	v18 =	vld.idx.msk [tilespmem:v20+s31+$0x0], $0xffff  }
0x128: {  	s30 =	sld [smem:$0x7E7];
	[tilespmem:s21+$0x0] =	vst v30;
	v20 =	vld.idx.msk [tilespmem:v12+s23+$0x0], $0xffff;
	s21 =	sadd.s32 s25, s12;
	s12 =	simm.s32 $0x13180  }
0x129: {  	v6 =	vmul.u32 $0x3, v6;
	s4 =	sadd.s32 s25, s4;
	s24 =	sadd.s32 s25, s17;
	[tilespmem:s26+$0x0] =	vst v24;
	s20 =	sld [smem:$0x7E6];
	v21 =	vld.idx.msk [tilespmem:v38+s12+$0x0], $0xffff  }
0x12a: {  	s16 =	sadd.s32 s25, s9;
	s9 =	sadd.s32 s25, s18;
	s18 =	simm.s32 $0x13180;
	[tilespmem:s8+$0x0] =	vst v1;
	v12 =	vld.idx.msk [tilespmem:v29+s28+$0x0], $0xffff  }
0x12b: {  	v36 =	vadd.s32 $0x1, v6;
	s26 =	sadd.s32 s25, s3;
	s3 =	sadd.s32 s25, s14;
	s14 =	sadd.s32 s25, s30;
	v24 =	vld.idx.msk [tilespmem:v11+s18+$0x0], $0xffff  }
0x12c: {  	v37 =	vadd.s32 $0x2, v6;
	s23 =	sadd.s32 s25, s0;
	v11 =	vld.idx.msk [tilespmem:v14+s28+$0x0], $0xffff;
	s28 =	sadd.s32 s25, s20;
	s20 =	sld [smem:$0x7E1]  }
.Ltmp5:
0x12d: {  	v9 =	vmin.u32 v9, $0x11;
	s8 =	sadd.s32 s25, s22;
	s12 =	sadd.s32 s25, s10;
	(pc) =	sbr.rel @p0 .LBB2_12-.Ltmp5, $4  }
0x12e: {  	v9 =	vshll.u32 v9, $0x2;
	v7 =	vmul.u32 $0x5, v7;
	s22 =	sadd.s32 s25, s11;
	[tilespmem:s1+$0x0] =	vst v2;
	s1 =	sadd.s32 s25, s2;
	s25 =	sld [smem:$0x7E2]  }
0x12f: {  	s13 =	sadd.s32 s5, s19;
	s29 =	sadd.s32 s6, s4;
	v22 =	vor.u32 $0x1, v9;
	v17 =	vor.u32 $0x2, v9;
	[tilespmem:s20+$0x0] =	vst v33  }
0x130: {  	s17 =	simm.s32 $0x13000;
	v28 =	vadd.s32 $0x1, v7;
	v27 =	vadd.s32 $0x2, v7;
	v26 =	vadd.s32 $0x3, v7;
	s30 =	sadd.s32 s6, s3;
	s10 =	sadd.s32 s6, s21;
	[tilespmem:s13+$0x0] =	vst v13;
	v13 =	vld.idx.msk [tilespmem:v36+s31+$0x0], $0xffff  }
0x131: {  	v25 =	vadd.s32 $0x4, v7;
	v16 =	vor.u32 $0x3, v9;
	v1 =	vmovc v35;
	v2 =	vmovc v63;
	s13 =	sadd.s32 s6, s26;
	s2 =	simm.s32 $0x13100;
	[tilespmem:s25+$0x0] =	vst v0;
	v0 =	vmov v34;
	s20 =	sadd.s32 s6, s16;
	v14 =	vld.idx.msk [tilespmem:v37+s31+$0x0], $0xffff  }
0x132: {  	_ =	sdelay $0x3  }
0x133: {  	v57 =	vld.idx.msk [tilespmem:v28+s18+$0x0], $0xffff  }
0x134: {  	v58 =	vld.idx.msk [tilespmem:v27+s18+$0x0], $0xffff  }
0x135: {  	v26 =	vld.idx.msk [tilespmem:v26+s18+$0x0], $0xffff  }
0x136: {  	v59 =	vld.idx.msk [tilespmem:v25+s18+$0x0], $0xffff  }
0x137: {  	v10 =	vld.idx.msk [tilespmem:v10+s17+$0x0], $0xffff  }
0x138: {  	v60 =	vld.idx.msk [tilespmem:v22+s15+$0x0], $0xffff  }
0x139: {  	v17 =	vld.idx.msk [tilespmem:v17+s15+$0x0], $0xffff  }
0x13a: {  	v16 =	vld.idx.msk [tilespmem:v16+s15+$0x0], $0xffff  }
0x13b: {  	v61 =	vld.idx.msk [tilespmem:v6+s2+$0x0], $0xffff  }
0x13c: {  	v62 =	vld.idx.msk [tilespmem:v7+s18+$0x0], $0xffff  }
0x13d: {  	s0 =	sadd.s32 s5, s4;
	v63 =	vld.idx.msk [tilespmem:v9+s15+$0x0], $0xffff;
	[tilespmem:s29+$0x0] =	vst v11  }
0x13e: {  	[tilespmem:s0+$0x0] =	vst v15  }
0x13f: {  	s4 =	sadd.s32 s5, s16;
	[tilespmem:s20+$0x0] =	vst v12  }
0x140: {  	s7 =	sadd.s32 s5, s26;
	[tilespmem:s4+$0x0] =	vst v23  }
0x141: {  	s11 =	sadd.s32 s5, s24;
	[tilespmem:s7+$0x0] =	vst v8  }
0x142: {  	s7 =	sadd.s32 s6, s24;
	[tilespmem:s11+$0x0] =	vst v19  }
0x143: {  	s16 =	sadd.s32 s5, s23;
	[tilespmem:s7+$0x0] =	vst v13  }
0x144: {  	s11 =	sadd.s32 s6, s23;
	[tilespmem:s16+$0x0] =	vst v18  }
0x145: {  	s17 =	sadd.s32 s5, s22;
	[tilespmem:s11+$0x0] =	vst v14  }
0x146: {  	s16 =	sadd.s32 s6, s22;
	[tilespmem:s17+$0x0] =	vst v20  }
0x147: {  	s25 =	sadd.s32 s5, s28;
	[tilespmem:s16+$0x0] =	vst v57  }
0x148: {  	s17 =	sadd.s32 s6, s28;
	[tilespmem:s25+$0x0] =	vst v21  }
0x149: {  	s26 =	sadd.s32 s5, s14;
	[tilespmem:s17+$0x0] =	vst v58  }
0x14a: {  	s20 =	sadd.s32 s6, s14;
	[tilespmem:s26+$0x0] =	vst v24  }
0x14b: {  	s31 =	sadd.s32 s5, s3;
	[tilespmem:s20+$0x0] =	vst v26  }
0x14c: {  	s22 =	sadd.s32 s6, s19;
	[tilespmem:s31+$0x0] =	vst v4  }
0x14d: {  	s3 =	sadd.s32 s5, s9;
	[tilespmem:s22+$0x0] =	vst v59  }
0x14e: {  	[tilespmem:s3+$0x0] =	vst v3  }
0x14f: {  	s4 =	sadd.s32 s5, s8;
	[tilespmem:s13+$0x0] =	vst v10  }
0x150: {  	[tilespmem:s4+$0x0] =	vst v5  }
0x151: {  	s23 =	sadd.s32 s6, s9;
	[tilespmem:s30+$0x0] =	vst v60  }
0x152: {  	s28 =	sadd.s32 s5, s12;
	[tilespmem:s23+$0x0] =	vst v17  }
0x153: {  	s24 =	sadd.s32 s6, s8;
	[tilespmem:s28+$0x0] =	vst v1  }
0x154: {  	s29 =	sadd.s32 s5, s1;
	[tilespmem:s24+$0x0] =	vst v16  }
0x155: {  	s25 =	sadd.s32 s6, s12;
	[tilespmem:s29+$0x0] =	vst v2  }
0x156: {  	s26 =	sadd.s32 s6, s1;
	[tilespmem:s25+$0x0] =	vst v61  }
0x157: {  	[tilespmem:s26+$0x0] =	vst v62  }
0x158: {  	s30 =	sld [smem:$0x7E3];
	_ =	sdelay $0x2  }
0x159: {  	s1 =	sadd.s32 $0x1, s30  }
0x15a: {  	p0 =	sne.s32 s1, $0x8  }
.Ltmp6:
0x15b: {  	_ = 	snop;
	(pc) =	sbr.rel @p0 .LBB2_11-.Ltmp6, $3  }
0x15c: {  	_ =	sdelay $0x1  }
0x15d: {  	s31 =	sadd.s32 s5, s21;
	[tilespmem:s10+$0x0] =	vst v63  }
0x15e: {  	s19 =	simm.s32 $0x13100;
	s16 =	simm.s32 $0x13000;
	[tilespmem:s31+$0x0] =	vst v0  }
0x15f: {  	s4 =	sld [smem:$0x7F2];
	_ =	sdelay $0x2  }
0x160: {  	s4 =	sadd.s32 $0x1, s4  }
0x161: {  	s0 =	sld [smem:$0x7FC];
	p0 =	sne.s32 s4, $0x19  }
.Ltmp7:
0x162: {  	s1 =	sld [smem:$0x7E8];
	(pc) =	sbr.rel @p0 .LBB2_2-.Ltmp7, $4  }
0x163: {  	_ = 	snop  }
0x164: {  	s31 =	simm.s32 $0x800  }
0x165: {  	s2 =	simm.s32 $0x320000;
	s3 =	simm.s32 $0xB800;
	s0 =	sadd.s32 s1, s0  }
0x166: {  	[hbm4b:s0+s31] =	stream.strided.scatter [tilespmem:s3], [sflag:$0x4], $0x7800, s2, s31, $0x38;
	[tilespmem:$0x13200] =	vst v63  }
0x167: {  	s0 =	simm.s32 $0x3  }
0x168: {  	_ =	swait.ge [sflag:s0], $0x7800  }
0x169: {  	[sflag:s0] =	ssyncset.done $0x0  }
0x16a: {  	s1 =	simm.s32 $0x4;
	[sflag:s0] =	ssyncadd.s32 $0xFFFF8800  }
0x16b: {  	_ =	swait.ge [sflag:s1], $0x7800  }
0x16c: {  	s2 =	sld [smem:$0x7F3]  }
0x16d: {  	s31 =	sld [smem:$0x7FD];
	_ =	sdelay $0x1  }
0x16e: {  	s2 =	sadd.s32 $0x1, s2  }
0x16f: {  	p0 =	sne.s32 s2, s31  }
.Ltmp8:
0x170: {  	_ = 	snop;
	(pc) =	sbr.rel @p0 .LBB2_1-.Ltmp8, $3  }
0x171: {  	_ =	sdelay $0x1  }
0x172: {  	[sflag:s1] =	ssyncset.done $0x0  }
0x173: {  	[sflag:s1] =	ssyncadd.s32 $0xFFFF8800  }
0x174: {  	_ =	sfence.sel $0x180000  }
0x175: {  	[bflag:$0x0] =	sbarrier.arrive $0xFFFF  }
0x176: {  	_ =	strace $0x90000047  }
0x177: {  	s0 =	stileid.u32;
	[bflag:$0x2] =	sbarrier.arrive $0xFFFF  }
0x178: {  	p0 =	sne.s32 s0, $0x0;
	s0 =	rddreg [dreg:$0x3]  }
0x179: {  	s0 =	sadd.s32 @!p0 $0x100000, s0  }
0x17a: {  	[sflag:s0] =	ssyncadd.tile.s32 @!p0 $0x1;
	_ =	shalt  }
.Lfunc_end2:
_tile_overlayer_lowered:
.L_overlay_start_2:
0x17b: {  	(tag) =	ssettag $0x2  }
0x17c: {  	s0 =	rddreg [dreg:$0x0];
	s2 =	stileid.u32  }
0x17d: {  	s1 =	rddreg [dreg:$0x1];
	p0 =	sne.s32 s2, $0x0  }
0x17e: {  	s3 =	rddreg [dreg:$0x2];
	[bflag:$0x3] =	sbarrier.arrive $0xFFFF;
	s2 =	simm.s32 @!p0 $0x1C05  }
0x17f: {  	[timem:s3], [sflag:s2] =	dma.local @!p0 [hbm:s0], s1  }
0x180: {  	s0 =	simm.s32 @!p0 $0x5  }
0x181: {  	_ =	swait.ge @!p0 [sflag:s0], s1  }
0x182: {  	s1 =	ssub.s32 @!p0 $0x0, s1;
	[sflag:s0] =	ssyncset.done @!p0 $0x0  }
0x183: {  	[sflag:s0] =	ssyncadd.s32 @!p0 s1  }
0x184: {  	[bflag:$0x3] =	sbarrier.arrive $0xFFFF  }
0x185: {  	_ =	shalt  }

</sc_bundles>
